<compile_context>
chip_gen: v7x
topology: tpu7x:2x2x1
jax: 0.10.2.dev20260603
libtpu: 0.0.44.dev20260713+nightly
codegen_flags: <defaults>
</compile_context>

<pallas_src>
import functools

import jax
import jax.numpy as jnp
from jax import lax
from jax.experimental import pallas as pl
from jax.experimental.pallas import tpu as pltpu
from jax.experimental.pallas import tpu_sc as plsc

HID = 256
N_WORKERS = 32


CH = 112
K0 = 3
K1 = 3
N_PAD = (K0 + K1) * 16 * CH


def _sc_gather(x, idx):
    n = x.shape[0]
    mesh = plsc.VectorSubcoreMesh(core_axis_name="c", subcore_axis_name="s")
    kmax = max(K0, K1)

    @functools.partial(
        pl.kernel,
        mesh=mesh,
        out_type=jax.ShapeDtypeStruct((n, HID), jnp.float32),
        scratch_types=[
            pltpu.VMEM((kmax * CH,), jnp.int32),
            pltpu.VMEM((CH, HID), jnp.float32),
            pltpu.VMEM((CH, HID), jnp.float32),
            pltpu.SemaphoreType.DMA,
            pltpu.SemaphoreType.DMA,
        ],
    )
    def gather_kernel(x_hbm, idx_hbm, out_hbm, idx_v, rows_a, rows_b,
                      sem_a, sem_b):
        cid = lax.axis_index("c")
        sid = lax.axis_index("s")
        myk = jnp.where(cid == 0, K0, K1)
        base = jnp.where(cid == 0, sid * (K0 * CH),
                         16 * K0 * CH + sid * (K1 * CH))
        base = jnp.minimum(base, n - myk * CH)
        ibase = jnp.minimum(base, n - kmax * CH)
        off = base - ibase
        pltpu.sync_copy(idx_hbm.at[pl.ds(ibase, kmax * CH)], idx_v)

        def pair(p, carry):
            c = 2 * p
            ca = pltpu.async_copy(
                x_hbm.at[idx_v.at[pl.ds(off + c * CH, CH)]], rows_a, sem_a)
            cb = pltpu.async_copy(
                x_hbm.at[idx_v.at[pl.ds(off + (c + 1) * CH, CH)]],
                rows_b, sem_b)
            ca.wait()
            pltpu.sync_copy(rows_a, out_hbm.at[pl.ds(base + c * CH, CH)])
            cb.wait()
            pltpu.sync_copy(rows_b, out_hbm.at[pl.ds(base + (c + 1) * CH, CH)])
            return carry

        lax.fori_loop(0, (myk - 1) // 2, pair, 0)
        last = myk - 1
        pltpu.async_copy(
            x_hbm.at[idx_v.at[pl.ds(off + last * CH, CH)]],
            rows_a, sem_a).wait()
        pltpu.sync_copy(rows_a, out_hbm.at[pl.ds(base + last * CH, CH)])

    return gather_kernel(x, idx)


def _dense_body(x_ref, g_ref, w_ref, Wm_ref, bm_ref, Wg_ref, bg_ref,
                Wu_ref, bu_ref, o_ref):
    bf = jnp.bfloat16
    xb = x_ref[...]
    xb16 = xb.astype(bf)
    msg = jnp.dot(g_ref[...].astype(bf), Wm_ref[...].astype(bf),
                  preferred_element_type=jnp.float32) + bm_ref[...]
    msg16 = msg.astype(bf)
    Wg16 = Wg_ref[...].astype(bf)
    gl = (jnp.dot(xb16, Wg16[:HID, :], preferred_element_type=jnp.float32)
          + jnp.dot(msg16, Wg16[HID:, :], preferred_element_type=jnp.float32)
          + bg_ref[...])
    gate = 1.0 / (1.0 + jnp.exp(-gl))
    upd = xb + w_ref[...] * gate * msg
    o_ref[...] = jnp.clip(
        jnp.dot(upd.astype(bf), Wu_ref[...].astype(bf),
                preferred_element_type=jnp.float32)
        + bu_ref[...], 0.0, 1.0)


def _tc_dense(x, g, w2d, Wm, bm2, Wg, bg2, Wu, bu2, blk):
    n = x.shape[0]
    return pl.pallas_call(
        _dense_body,
        grid=(n // blk,),
        in_specs=[
            pl.BlockSpec((blk, HID), lambda i: (i, 0)),
            pl.BlockSpec((blk, HID), lambda i: (i, 0)),
            pl.BlockSpec((blk, 1), lambda i: (i, 0)),
            pl.BlockSpec((HID, HID), lambda i: (0, 0)),
            pl.BlockSpec((1, HID), lambda i: (0, 0)),
            pl.BlockSpec((2 * HID, HID), lambda i: (0, 0)),
            pl.BlockSpec((1, HID), lambda i: (0, 0)),
            pl.BlockSpec((HID, HID), lambda i: (0, 0)),
            pl.BlockSpec((1, HID), lambda i: (0, 0)),
        ],
        out_specs=pl.BlockSpec((blk, HID), lambda i: (i, 0)),
        out_shape=jax.ShapeDtypeStruct((n, HID), jnp.float32),
    )(x, g, w2d, Wm, bm2, Wg, bg2, Wu, bu2)


def kernel(x, he_ptr, he_src, he_tgt, he_w, Wm, bm, Wg, bg, Wu, bu):
    g = _sc_gather(x, he_src)
    return _tc_dense(x, g, he_w[:, None], Wm, bm[None, :], Wg, bg[None, :],
                     Wu, bu[None, :], blk=5000)

# --- scband reference (transcript-rebuilt; emitter-appended) ---
"""Pipeline reference for scband-hyper-rule-layer-59330678227222 (READ-ONLY COPY).

The authoritative reference and input builder live on the scoring server;
editing this copy changes nothing except your own understanding.
"""

import jax, jax.numpy as jnp
import numpy as np

N_REL = 10000
HID = 256
N_HE = 10000


def setup_inputs(seed: int = 0) -> dict:
    key = jax.random.key(seed)
    ks = jax.random.split(key, 10)
    x = jax.random.normal(ks[0], (N_REL, HID), dtype=jnp.float32)
    he_ptr = jnp.arange(N_HE + 1, dtype=jnp.int32)
    he_src = jax.random.randint(ks[1], (N_HE,), 0, N_REL, dtype=jnp.int32)
    he_tgt = jnp.arange(N_HE, dtype=jnp.int32)
    he_w = jax.random.uniform(ks[2], (N_HE,), dtype=jnp.float32)
    s = 1.0 / np.sqrt(HID)
    Wm = jax.random.normal(ks[3], (HID, HID), dtype=jnp.float32) * s
    bm = jax.random.normal(ks[4], (HID,), dtype=jnp.float32) * 0.01
    Wg = jax.random.normal(ks[5], (2 * HID, HID), dtype=jnp.float32) * (1.0 / np.sqrt(2 * HID))
    bg = jax.random.normal(ks[6], (HID,), dtype=jnp.float32) * 0.01
    Wu = jax.random.normal(ks[7], (HID, HID), dtype=jnp.float32) * s
    bu = jax.random.normal(ks[8], (HID,), dtype=jnp.float32) * 0.01
    return {"x": x, "he_ptr": he_ptr, "he_src": he_src, "he_tgt": he_tgt,
            "he_w": he_w, "Wm": Wm, "bm": bm, "Wg": Wg, "bg": bg,
            "Wu": Wu, "bu": bu}


def reference(x, he_ptr, he_src, he_tgt, he_w, Wm, bm, Wg, bg, Wu, bu):
    E = he_tgt.shape[0]
    counts = he_ptr[1:] - he_ptr[:-1]
    seg_ids = jnp.repeat(jnp.arange(E), counts, total_repeat_length=he_src.shape[0])
    gathered = jnp.take(x, he_src, axis=0)
    src_sum = jax.ops.segment_sum(gathered, seg_ids, num_segments=E)
    src_mean = src_sum / jnp.maximum(counts, 1).astype(x.dtype)[:, None]
    msg = src_mean @ Wm + bm
    xt = jnp.take(x, he_tgt, axis=0)
    gate_val = jax.nn.sigmoid(jnp.concatenate([xt, msg], axis=-1) @ Wg + bg)
    upd = xt + he_w[:, None] * gate_val * msg
    out = x.at[he_tgt].set(upd)
    out = out @ Wu + bu
    return jnp.clip(out, 0.0, 1.0)

if __name__ == "__main__":
    import jax
    _d = setup_inputs()
    print(jax.jit(kernel)(*tuple(_d.values())))

</pallas_src>

<mosaic_0001>
#map = affine_map<(d0, d1) -> (0, 0)>
#map1 = affine_map<(d0, d1) -> (0)>
module attributes {stable_mosaic.version = 14 : i64} {
  func.func @gather_kernel(%arg0: i32, %arg1: i32, %arg2: memref<10000x256xf32, #tpu.memory_space<hbm>>, %arg3: memref<10000xi32, #tpu.memory_space<hbm>>, %arg4: memref<10000x256xf32, #tpu.memory_space<hbm>>, %arg5: memref<336xi32, #tpu.memory_space<vmem>>, %arg6: memref<112x256xf32, #tpu.memory_space<vmem>>, %arg7: memref<112x256xf32, #tpu.memory_space<vmem>>, %arg8: memref<!tpu.dma_semaphore, #tpu.memory_space<semaphore_mem>>, %arg9: memref<!tpu.dma_semaphore, #tpu.memory_space<semaphore_mem>>) attributes {dimension_semantics = [#tpu.dimension_semantics<core_parallel>, #tpu.dimension_semantics<subcore_parallel>], iteration_bounds = array<i64: 2, 16>, scalar_prefetch = 0 : i64, scratch_operands = 5 : i64, tpu.core_type = #tpu.core_type<sc_vector_subcore>, window_params = [{transform_indices = #map}, {transform_indices = #map1}, {transform_indices = #map}]} {
    %eq3A = arith.constant 0 : i32
    %eq3A_0 = arith.cmpi eq, %arg0, %eq3A : i32
    %jit3A = arith.constant 3 : i32
    %jit3A_1 = arith.constant 3 : i32
    %select_n3A = arith.select %eq3A_0, %jit3A, %jit3A_1 : i32
    %eq3A_2 = arith.constant 0 : i32
    %eq3A_3 = arith.cmpi eq, %arg0, %eq3A_2 : i32
    %mul3A = arith.constant 336 : i32
    %mul3A_4 = arith.muli %arg1, %mul3A : i32
    %mul3A_5 = arith.constant 336 : i32
    %mul3A_6 = arith.muli %arg1, %mul3A_5 : i32
    %add3A = arith.constant 5376 : i32
    %add3A_7 = arith.addi %add3A, %mul3A_6 : i32
    %select_n3A_8 = arith.select %eq3A_3, %mul3A_4, %add3A_7 : i32
    %mul3A_9 = arith.constant 112 : i32
    %mul3A_10 = arith.muli %select_n3A, %mul3A_9 : i32
    %sub3A = arith.constant 10000 : i32
    %sub3A_11 = arith.subi %sub3A, %mul3A_10 : i32
    %min3A = arith.minsi %select_n3A_8, %sub3A_11 : i32
    %min3A_12 = arith.constant 9664 : i32
    %min3A_13 = arith.minsi %min3A, %min3A_12 : i32
    %sub3A_14 = arith.subi %min3A, %min3A_13 : i32
    "tpu.region"() ({
      %run_scoped3A = tpu.sem_alloc : memref<!tpu.dma_semaphore, #tpu.memory_space<semaphore_mem>>
      %dma_start3A_59 = tpu.memref_slice %arg3[%min3A_13] : memref<10000xi32, #tpu.memory_space<hbm>> -> memref<336xi32, #tpu.memory_space<hbm>>
      %dma_start3A_60 = tpu.memref_slice %arg3[%min3A_13] : memref<10000xi32, #tpu.memory_space<hbm>> -> memref<336xi32, #tpu.memory_space<hbm>>
      tpu.enqueue_dma source(%dma_start3A_60 : memref<336xi32, #tpu.memory_space<hbm>>) target(%arg5 : memref<336xi32, #tpu.memory_space<vmem>>) target_semaphore(%run_scoped3A : memref<!tpu.dma_semaphore, #tpu.memory_space<semaphore_mem>>)
      %dma_wait3A_61 = tpu.memref_slice %arg3[%min3A_13] : memref<10000xi32, #tpu.memory_space<hbm>> -> memref<336xi32, #tpu.memory_space<hbm>>
      %dma_wait3A_62 = tpu.memref_slice %arg3[%min3A_13] : memref<10000xi32, #tpu.memory_space<hbm>> -> memref<336xi32, #tpu.memory_space<hbm>>
      tpu.wait_dma2 semaphore(%run_scoped3A : memref<!tpu.dma_semaphore, #tpu.memory_space<semaphore_mem>>) src(%dma_wait3A_62 : memref<336xi32, #tpu.memory_space<hbm>>) dst(%arg5 : memref<336xi32, #tpu.memory_space<vmem>>)
      tpu.yield
    }) : () -> ()
    %sub3A_15 = arith.constant 1 : i32
    %sub3A_16 = arith.subi %select_n3A, %sub3A_15 : i32
    %jit3A_17 = arith.constant 2 : i32
    %div3A = arith.divsi %sub3A_16, %jit3A_17 : i32
    %sign3A = arith.constant 0 : i32
    %sign3A_18 = arith.cmpi sgt, %sub3A_16, %sign3A : i32
    %sign3A_19 = arith.extui %sign3A_18 : i1 to i32
    %sign3A_20 = arith.constant 0 : i32
    %sign3A_21 = arith.cmpi slt, %sub3A_16, %sign3A_20 : i32
    %sign3A_22 = arith.extui %sign3A_21 : i1 to i32
    %sign3A_23 = arith.subi %sign3A_19, %sign3A_22 : i32
    %sign3A_24 = arith.constant 0 : i32
    %sign3A_25 = arith.cmpi sgt, %jit3A_17, %sign3A_24 : i32
    %sign3A_26 = arith.extui %sign3A_25 : i1 to i32
    %sign3A_27 = arith.constant 0 : i32
    %sign3A_28 = arith.cmpi slt, %jit3A_17, %sign3A_27 : i32
    %sign3A_29 = arith.extui %sign3A_28 : i1 to i32
    %sign3A_30 = arith.subi %sign3A_26, %sign3A_29 : i32
    %ne3A = arith.cmpi ne, %sign3A_23, %sign3A_30 : i32
    %rem3A = arith.remsi %sub3A_16, %jit3A_17 : i32
    %ne3A_31 = arith.constant 0 : i32
    %ne3A_32 = arith.cmpi ne, %rem3A, %ne3A_31 : i32
    %and3A = arith.andi %ne3A, %ne3A_32 : i1
    %sub3A_33 = arith.constant 1 : i32
    %sub3A_34 = arith.subi %div3A, %sub3A_33 : i32
    %select_n3A_35 = arith.select %and3A, %sub3A_34, %div3A : i32
    %while3A = arith.constant 0 : i32
    %while3A_36 = arith.constant 0 : i32
    %while3A_37 = arith.subi %select_n3A_35, %while3A_36 : i32
    %while3A_38 = arith.addi %while3A_36, %while3A_37 : i32
    %while3A_39 = arith.constant 1 : i32
    %while3A_40 = arith.divsi %while3A_37, %while3A_39 : i32
    %while3A_41 = arith.muli %while3A_40, %while3A_39 : i32
    %while3A_42 = arith.addi %while3A_36, %while3A_41 : i32
    %while3A_43 = arith.constant 1 : i32
    scf.for %while3A_59 = %while3A_36 to %while3A_42 step %while3A_43  : i32 {
      %mul3A_60 = arith.constant 2 : i32
      %mul3A_61 = arith.muli %mul3A_60, %while3A_59 : i32
      %mul3A_62 = arith.constant 112 : i32
      %mul3A_63 = arith.muli %mul3A_61, %mul3A_62 : i32
      %add3A_64 = arith.addi %sub3A_14, %mul3A_63 : i32
      %dma_start3A_65 = tpu.memref_slice %arg5[%add3A_64] : memref<336xi32, #tpu.memory_space<vmem>> -> memref<112xi32, #tpu.memory_space<vmem>>
      %dma_start3A_66 = arith.constant 0 : i32
      %dma_start3A_67 = arith.constant 0 : i32
      %dma_start3A_68 = tpu.memref_slice %arg2[%dma_start3A_66, %dma_start3A_67] : memref<10000x256xf32, #tpu.memory_space<hbm>> -> memref<10000x256xf32, #tpu.memory_space<hbm>>
      tpu.enqueue_indirect_dma source(%dma_start3A_68 : memref<10000x256xf32, #tpu.memory_space<hbm>>) target(%arg6 : memref<112x256xf32, #tpu.memory_space<vmem>>) offsets(%dma_start3A_65 : memref<112xi32, #tpu.memory_space<vmem>>) semaphore(%arg8 : memref<!tpu.dma_semaphore, #tpu.memory_space<semaphore_mem>>)
      %add3A_69 = arith.constant 1 : i32
      %add3A_70 = arith.addi %mul3A_61, %add3A_69 : i32
      %mul3A_71 = arith.constant 112 : i32
      %mul3A_72 = arith.muli %add3A_70, %mul3A_71 : i32
      %add3A_73 = arith.addi %sub3A_14, %mul3A_72 : i32
      %dma_start3A_74 = tpu.memref_slice %arg5[%add3A_73] : memref<336xi32, #tpu.memory_space<vmem>> -> memref<112xi32, #tpu.memory_space<vmem>>
      %dma_start3A_75 = arith.constant 0 : i32
      %dma_start3A_76 = arith.constant 0 : i32
      %dma_start3A_77 = tpu.memref_slice %arg2[%dma_start3A_75, %dma_start3A_76] : memref<10000x256xf32, #tpu.memory_space<hbm>> -> memref<10000x256xf32, #tpu.memory_space<hbm>>
      tpu.enqueue_indirect_dma source(%dma_start3A_77 : memref<10000x256xf32, #tpu.memory_space<hbm>>) target(%arg7 : memref<112x256xf32, #tpu.memory_space<vmem>>) offsets(%dma_start3A_74 : memref<112xi32, #tpu.memory_space<vmem>>) semaphore(%arg9 : memref<!tpu.dma_semaphore, #tpu.memory_space<semaphore_mem>>)
      %dma_wait3A_78 = tpu.memref_slice %arg5[%add3A_64] : memref<336xi32, #tpu.memory_space<vmem>> -> memref<112xi32, #tpu.memory_space<vmem>>
      %dma_wait3A_79 = arith.constant 0 : i32
      %dma_wait3A_80 = arith.constant 0 : i32
      %dma_wait3A_81 = tpu.memref_slice %arg2[%dma_wait3A_79, %dma_wait3A_80] : memref<10000x256xf32, #tpu.memory_space<hbm>> -> memref<10000x256xf32, #tpu.memory_space<hbm>>
      tpu.wait_indirect_dma semaphore(%arg8 : memref<!tpu.dma_semaphore, #tpu.memory_space<semaphore_mem>>) src(%dma_wait3A_81 : memref<10000x256xf32, #tpu.memory_space<hbm>>) dst(%arg6 : memref<112x256xf32, #tpu.memory_space<vmem>>)
      %mul3A_82 = arith.constant 112 : i32
      %mul3A_83 = arith.muli %mul3A_61, %mul3A_82 : i32
      %add3A_84 = arith.addi %min3A, %mul3A_83 : i32
      "tpu.region"() ({
        %run_scoped3A = tpu.sem_alloc : memref<!tpu.dma_semaphore, #tpu.memory_space<semaphore_mem>>
        %dma_start3A_94 = arith.constant 0 : i32
        %dma_start3A_95 = tpu.memref_slice %arg4[%add3A_84, %dma_start3A_94] : memref<10000x256xf32, #tpu.memory_space<hbm>> -> memref<112x256xf32, #tpu.memory_space<hbm>>
        %dma_start3A_96 = arith.constant 0 : i32
        %dma_start3A_97 = tpu.memref_slice %arg4[%add3A_84, %dma_start3A_96] : memref<10000x256xf32, #tpu.memory_space<hbm>> -> memref<112x256xf32, #tpu.memory_space<hbm>>
        tpu.enqueue_dma source(%arg6 : memref<112x256xf32, #tpu.memory_space<vmem>>) target(%dma_start3A_97 : memref<112x256xf32, #tpu.memory_space<hbm>>) target_semaphore(%run_scoped3A : memref<!tpu.dma_semaphore, #tpu.memory_space<semaphore_mem>>)
        %dma_wait3A_98 = arith.constant 0 : i32
        %dma_wait3A_99 = tpu.memref_slice %arg4[%add3A_84, %dma_wait3A_98] : memref<10000x256xf32, #tpu.memory_space<hbm>> -> memref<112x256xf32, #tpu.memory_space<hbm>>
        %dma_wait3A_100 = arith.constant 0 : i32
        %dma_wait3A_101 = tpu.memref_slice %arg4[%add3A_84, %dma_wait3A_100] : memref<10000x256xf32, #tpu.memory_space<hbm>> -> memref<112x256xf32, #tpu.memory_space<hbm>>
        tpu.wait_dma2 semaphore(%run_scoped3A : memref<!tpu.dma_semaphore, #tpu.memory_space<semaphore_mem>>) src(%arg6 : memref<112x256xf32, #tpu.memory_space<vmem>>) dst(%dma_wait3A_101 : memref<112x256xf32, #tpu.memory_space<hbm>>)
        tpu.yield
      }) : () -> ()
      %dma_wait3A_85 = tpu.memref_slice %arg5[%add3A_73] : memref<336xi32, #tpu.memory_space<vmem>> -> memref<112xi32, #tpu.memory_space<vmem>>
      %dma_wait3A_86 = arith.constant 0 : i32
      %dma_wait3A_87 = arith.constant 0 : i32
      %dma_wait3A_88 = tpu.memref_slice %arg2[%dma_wait3A_86, %dma_wait3A_87] : memref<10000x256xf32, #tpu.memory_space<hbm>> -> memref<10000x256xf32, #tpu.memory_space<hbm>>
      tpu.wait_indirect_dma semaphore(%arg9 : memref<!tpu.dma_semaphore, #tpu.memory_space<semaphore_mem>>) src(%dma_wait3A_88 : memref<10000x256xf32, #tpu.memory_space<hbm>>) dst(%arg7 : memref<112x256xf32, #tpu.memory_space<vmem>>)
      %add3A_89 = arith.constant 1 : i32
      %add3A_90 = arith.addi %mul3A_61, %add3A_89 : i32
      %mul3A_91 = arith.constant 112 : i32
      %mul3A_92 = arith.muli %add3A_90, %mul3A_91 : i32
      %add3A_93 = arith.addi %min3A, %mul3A_92 : i32
      "tpu.region"() ({
        %run_scoped3A = tpu.sem_alloc : memref<!tpu.dma_semaphore, #tpu.memory_space<semaphore_mem>>
        %dma_start3A_94 = arith.constant 0 : i32
        %dma_start3A_95 = tpu.memref_slice %arg4[%add3A_93, %dma_start3A_94] : memref<10000x256xf32, #tpu.memory_space<hbm>> -> memref<112x256xf32, #tpu.memory_space<hbm>>
        %dma_start3A_96 = arith.constant 0 : i32
        %dma_start3A_97 = tpu.memref_slice %arg4[%add3A_93, %dma_start3A_96] : memref<10000x256xf32, #tpu.memory_space<hbm>> -> memref<112x256xf32, #tpu.memory_space<hbm>>
        tpu.enqueue_dma source(%arg7 : memref<112x256xf32, #tpu.memory_space<vmem>>) target(%dma_start3A_97 : memref<112x256xf32, #tpu.memory_space<hbm>>) target_semaphore(%run_scoped3A : memref<!tpu.dma_semaphore, #tpu.memory_space<semaphore_mem>>)
        %dma_wait3A_98 = arith.constant 0 : i32
        %dma_wait3A_99 = tpu.memref_slice %arg4[%add3A_93, %dma_wait3A_98] : memref<10000x256xf32, #tpu.memory_space<hbm>> -> memref<112x256xf32, #tpu.memory_space<hbm>>
        %dma_wait3A_100 = arith.constant 0 : i32
        %dma_wait3A_101 = tpu.memref_slice %arg4[%add3A_93, %dma_wait3A_100] : memref<10000x256xf32, #tpu.memory_space<hbm>> -> memref<112x256xf32, #tpu.memory_space<hbm>>
        tpu.wait_dma2 semaphore(%run_scoped3A : memref<!tpu.dma_semaphore, #tpu.memory_space<semaphore_mem>>) src(%arg7 : memref<112x256xf32, #tpu.memory_space<vmem>>) dst(%dma_wait3A_101 : memref<112x256xf32, #tpu.memory_space<hbm>>)
        tpu.yield
      }) : () -> ()
    }
    %while3A_44 = arith.constant 1 : i32
    scf.for %while3A_59 = %while3A_42 to %while3A_38 step %while3A_44  : i32 {
      %mul3A_60 = arith.constant 2 : i32
      %mul3A_61 = arith.muli %mul3A_60, %while3A_59 : i32
      %mul3A_62 = arith.constant 112 : i32
      %mul3A_63 = arith.muli %mul3A_61, %mul3A_62 : i32
      %add3A_64 = arith.addi %sub3A_14, %mul3A_63 : i32
      %dma_start3A_65 = tpu.memref_slice %arg5[%add3A_64] : memref<336xi32, #tpu.memory_space<vmem>> -> memref<112xi32, #tpu.memory_space<vmem>>
      %dma_start3A_66 = arith.constant 0 : i32
      %dma_start3A_67 = arith.constant 0 : i32
      %dma_start3A_68 = tpu.memref_slice %arg2[%dma_start3A_66, %dma_start3A_67] : memref<10000x256xf32, #tpu.memory_space<hbm>> -> memref<10000x256xf32, #tpu.memory_space<hbm>>
      tpu.enqueue_indirect_dma source(%dma_start3A_68 : memref<10000x256xf32, #tpu.memory_space<hbm>>) target(%arg6 : memref<112x256xf32, #tpu.memory_space<vmem>>) offsets(%dma_start3A_65 : memref<112xi32, #tpu.memory_space<vmem>>) semaphore(%arg8 : memref<!tpu.dma_semaphore, #tpu.memory_space<semaphore_mem>>)
      %add3A_69 = arith.constant 1 : i32
      %add3A_70 = arith.addi %mul3A_61, %add3A_69 : i32
      %mul3A_71 = arith.constant 112 : i32
      %mul3A_72 = arith.muli %add3A_70, %mul3A_71 : i32
      %add3A_73 = arith.addi %sub3A_14, %mul3A_72 : i32
      %dma_start3A_74 = tpu.memref_slice %arg5[%add3A_73] : memref<336xi32, #tpu.memory_space<vmem>> -> memref<112xi32, #tpu.memory_space<vmem>>
      %dma_start3A_75 = arith.constant 0 : i32
      %dma_start3A_76 = arith.constant 0 : i32
      %dma_start3A_77 = tpu.memref_slice %arg2[%dma_start3A_75, %dma_start3A_76] : memref<10000x256xf32, #tpu.memory_space<hbm>> -> memref<10000x256xf32, #tpu.memory_space<hbm>>
      tpu.enqueue_indirect_dma source(%dma_start3A_77 : memref<10000x256xf32, #tpu.memory_space<hbm>>) target(%arg7 : memref<112x256xf32, #tpu.memory_space<vmem>>) offsets(%dma_start3A_74 : memref<112xi32, #tpu.memory_space<vmem>>) semaphore(%arg9 : memref<!tpu.dma_semaphore, #tpu.memory_space<semaphore_mem>>)
      %dma_wait3A_78 = tpu.memref_slice %arg5[%add3A_64] : memref<336xi32, #tpu.memory_space<vmem>> -> memref<112xi32, #tpu.memory_space<vmem>>
      %dma_wait3A_79 = arith.constant 0 : i32
      %dma_wait3A_80 = arith.constant 0 : i32
      %dma_wait3A_81 = tpu.memref_slice %arg2[%dma_wait3A_79, %dma_wait3A_80] : memref<10000x256xf32, #tpu.memory_space<hbm>> -> memref<10000x256xf32, #tpu.memory_space<hbm>>
      tpu.wait_indirect_dma semaphore(%arg8 : memref<!tpu.dma_semaphore, #tpu.memory_space<semaphore_mem>>) src(%dma_wait3A_81 : memref<10000x256xf32, #tpu.memory_space<hbm>>) dst(%arg6 : memref<112x256xf32, #tpu.memory_space<vmem>>)
      %mul3A_82 = arith.constant 112 : i32
      %mul3A_83 = arith.muli %mul3A_61, %mul3A_82 : i32
      %add3A_84 = arith.addi %min3A, %mul3A_83 : i32
      "tpu.region"() ({
        %run_scoped3A = tpu.sem_alloc : memref<!tpu.dma_semaphore, #tpu.memory_space<semaphore_mem>>
        %dma_start3A_94 = arith.constant 0 : i32
        %dma_start3A_95 = tpu.memref_slice %arg4[%add3A_84, %dma_start3A_94] : memref<10000x256xf32, #tpu.memory_space<hbm>> -> memref<112x256xf32, #tpu.memory_space<hbm>>
        %dma_start3A_96 = arith.constant 0 : i32
        %dma_start3A_97 = tpu.memref_slice %arg4[%add3A_84, %dma_start3A_96] : memref<10000x256xf32, #tpu.memory_space<hbm>> -> memref<112x256xf32, #tpu.memory_space<hbm>>
        tpu.enqueue_dma source(%arg6 : memref<112x256xf32, #tpu.memory_space<vmem>>) target(%dma_start3A_97 : memref<112x256xf32, #tpu.memory_space<hbm>>) target_semaphore(%run_scoped3A : memref<!tpu.dma_semaphore, #tpu.memory_space<semaphore_mem>>)
        %dma_wait3A_98 = arith.constant 0 : i32
        %dma_wait3A_99 = tpu.memref_slice %arg4[%add3A_84, %dma_wait3A_98] : memref<10000x256xf32, #tpu.memory_space<hbm>> -> memref<112x256xf32, #tpu.memory_space<hbm>>
        %dma_wait3A_100 = arith.constant 0 : i32
        %dma_wait3A_101 = tpu.memref_slice %arg4[%add3A_84, %dma_wait3A_100] : memref<10000x256xf32, #tpu.memory_space<hbm>> -> memref<112x256xf32, #tpu.memory_space<hbm>>
        tpu.wait_dma2 semaphore(%run_scoped3A : memref<!tpu.dma_semaphore, #tpu.memory_space<semaphore_mem>>) src(%arg6 : memref<112x256xf32, #tpu.memory_space<vmem>>) dst(%dma_wait3A_101 : memref<112x256xf32, #tpu.memory_space<hbm>>)
        tpu.yield
      }) : () -> ()
      %dma_wait3A_85 = tpu.memref_slice %arg5[%add3A_73] : memref<336xi32, #tpu.memory_space<vmem>> -> memref<112xi32, #tpu.memory_space<vmem>>
      %dma_wait3A_86 = arith.constant 0 : i32
      %dma_wait3A_87 = arith.constant 0 : i32
      %dma_wait3A_88 = tpu.memref_slice %arg2[%dma_wait3A_86, %dma_wait3A_87] : memref<10000x256xf32, #tpu.memory_space<hbm>> -> memref<10000x256xf32, #tpu.memory_space<hbm>>
      tpu.wait_indirect_dma semaphore(%arg9 : memref<!tpu.dma_semaphore, #tpu.memory_space<semaphore_mem>>) src(%dma_wait3A_88 : memref<10000x256xf32, #tpu.memory_space<hbm>>) dst(%arg7 : memref<112x256xf32, #tpu.memory_space<vmem>>)
      %add3A_89 = arith.constant 1 : i32
      %add3A_90 = arith.addi %mul3A_61, %add3A_89 : i32
      %mul3A_91 = arith.constant 112 : i32
      %mul3A_92 = arith.muli %add3A_90, %mul3A_91 : i32
      %add3A_93 = arith.addi %min3A, %mul3A_92 : i32
      "tpu.region"() ({
        %run_scoped3A = tpu.sem_alloc : memref<!tpu.dma_semaphore, #tpu.memory_space<semaphore_mem>>
        %dma_start3A_94 = arith.constant 0 : i32
        %dma_start3A_95 = tpu.memref_slice %arg4[%add3A_93, %dma_start3A_94] : memref<10000x256xf32, #tpu.memory_space<hbm>> -> memref<112x256xf32, #tpu.memory_space<hbm>>
        %dma_start3A_96 = arith.constant 0 : i32
        %dma_start3A_97 = tpu.memref_slice %arg4[%add3A_93, %dma_start3A_96] : memref<10000x256xf32, #tpu.memory_space<hbm>> -> memref<112x256xf32, #tpu.memory_space<hbm>>
        tpu.enqueue_dma source(%arg7 : memref<112x256xf32, #tpu.memory_space<vmem>>) target(%dma_start3A_97 : memref<112x256xf32, #tpu.memory_space<hbm>>) target_semaphore(%run_scoped3A : memref<!tpu.dma_semaphore, #tpu.memory_space<semaphore_mem>>)
        %dma_wait3A_98 = arith.constant 0 : i32
        %dma_wait3A_99 = tpu.memref_slice %arg4[%add3A_93, %dma_wait3A_98] : memref<10000x256xf32, #tpu.memory_space<hbm>> -> memref<112x256xf32, #tpu.memory_space<hbm>>
        %dma_wait3A_100 = arith.constant 0 : i32
        %dma_wait3A_101 = tpu.memref_slice %arg4[%add3A_93, %dma_wait3A_100] : memref<10000x256xf32, #tpu.memory_space<hbm>> -> memref<112x256xf32, #tpu.memory_space<hbm>>
        tpu.wait_dma2 semaphore(%run_scoped3A : memref<!tpu.dma_semaphore, #tpu.memory_space<semaphore_mem>>) src(%arg7 : memref<112x256xf32, #tpu.memory_space<vmem>>) dst(%dma_wait3A_101 : memref<112x256xf32, #tpu.memory_space<hbm>>)
        tpu.yield
      }) : () -> ()
    }
    %sub3A_45 = arith.constant 1 : i32
    %sub3A_46 = arith.subi %select_n3A, %sub3A_45 : i32
    %mul3A_47 = arith.constant 112 : i32
    %mul3A_48 = arith.muli %sub3A_46, %mul3A_47 : i32
    %add3A_49 = arith.addi %sub3A_14, %mul3A_48 : i32
    %dma_start3A = tpu.memref_slice %arg5[%add3A_49] : memref<336xi32, #tpu.memory_space<vmem>> -> memref<112xi32, #tpu.memory_space<vmem>>
    %dma_start3A_50 = arith.constant 0 : i32
    %dma_start3A_51 = arith.constant 0 : i32
    %dma_start3A_52 = tpu.memref_slice %arg2[%dma_start3A_50, %dma_start3A_51] : memref<10000x256xf32, #tpu.memory_space<hbm>> -> memref<10000x256xf32, #tpu.memory_space<hbm>>
    tpu.enqueue_indirect_dma source(%dma_start3A_52 : memref<10000x256xf32, #tpu.memory_space<hbm>>) target(%arg6 : memref<112x256xf32, #tpu.memory_space<vmem>>) offsets(%dma_start3A : memref<112xi32, #tpu.memory_space<vmem>>) semaphore(%arg8 : memref<!tpu.dma_semaphore, #tpu.memory_space<semaphore_mem>>)
    %dma_wait3A = tpu.memref_slice %arg5[%add3A_49] : memref<336xi32, #tpu.memory_space<vmem>> -> memref<112xi32, #tpu.memory_space<vmem>>
    %dma_wait3A_53 = arith.constant 0 : i32
    %dma_wait3A_54 = arith.constant 0 : i32
    %dma_wait3A_55 = tpu.memref_slice %arg2[%dma_wait3A_53, %dma_wait3A_54] : memref<10000x256xf32, #tpu.memory_space<hbm>> -> memref<10000x256xf32, #tpu.memory_space<hbm>>
    tpu.wait_indirect_dma semaphore(%arg8 : memref<!tpu.dma_semaphore, #tpu.memory_space<semaphore_mem>>) src(%dma_wait3A_55 : memref<10000x256xf32, #tpu.memory_space<hbm>>) dst(%arg6 : memref<112x256xf32, #tpu.memory_space<vmem>>)
    %mul3A_56 = arith.constant 112 : i32
    %mul3A_57 = arith.muli %sub3A_46, %mul3A_56 : i32
    %add3A_58 = arith.addi %min3A, %mul3A_57 : i32
    "tpu.region"() ({
      %run_scoped3A = tpu.sem_alloc : memref<!tpu.dma_semaphore, #tpu.memory_space<semaphore_mem>>
      %dma_start3A_59 = arith.constant 0 : i32
      %dma_start3A_60 = tpu.memref_slice %arg4[%add3A_58, %dma_start3A_59] : memref<10000x256xf32, #tpu.memory_space<hbm>> -> memref<112x256xf32, #tpu.memory_space<hbm>>
      %dma_start3A_61 = arith.constant 0 : i32
      %dma_start3A_62 = tpu.memref_slice %arg4[%add3A_58, %dma_start3A_61] : memref<10000x256xf32, #tpu.memory_space<hbm>> -> memref<112x256xf32, #tpu.memory_space<hbm>>
      tpu.enqueue_dma source(%arg6 : memref<112x256xf32, #tpu.memory_space<vmem>>) target(%dma_start3A_62 : memref<112x256xf32, #tpu.memory_space<hbm>>) target_semaphore(%run_scoped3A : memref<!tpu.dma_semaphore, #tpu.memory_space<semaphore_mem>>)
      %dma_wait3A_63 = arith.constant 0 : i32
      %dma_wait3A_64 = tpu.memref_slice %arg4[%add3A_58, %dma_wait3A_63] : memref<10000x256xf32, #tpu.memory_space<hbm>> -> memref<112x256xf32, #tpu.memory_space<hbm>>
      %dma_wait3A_65 = arith.constant 0 : i32
      %dma_wait3A_66 = tpu.memref_slice %arg4[%add3A_58, %dma_wait3A_65] : memref<10000x256xf32, #tpu.memory_space<hbm>> -> memref<112x256xf32, #tpu.memory_space<hbm>>
      tpu.wait_dma2 semaphore(%run_scoped3A : memref<!tpu.dma_semaphore, #tpu.memory_space<semaphore_mem>>) src(%arg6 : memref<112x256xf32, #tpu.memory_space<vmem>>) dst(%dma_wait3A_66 : memref<112x256xf32, #tpu.memory_space<hbm>>)
      tpu.yield
    }) : () -> ()
    return
  }
}

module attributes {stable_mosaic.version = 14 : i64} {
  func.func @_dense_body(%arg0: i32, %arg1: memref<5000x256xf32, #tpu.memory_space<vmem>>, %arg2: memref<5000x256xf32, #tpu.memory_space<vmem>>, %arg3: memref<5000x1xf32, #tpu.memory_space<vmem>>, %arg4: memref<256x256xf32, #tpu.memory_space<vmem>>, %arg5: memref<1x256xf32, #tpu.memory_space<vmem>>, %arg6: memref<512x256xf32, #tpu.memory_space<vmem>>, %arg7: memref<1x256xf32, #tpu.memory_space<vmem>>, %arg8: memref<256x256xf32, #tpu.memory_space<vmem>>, %arg9: memref<1x256xf32, #tpu.memory_space<vmem>>, %arg10: memref<5000x256xf32, #tpu.memory_space<vmem>>) attributes {dimension_semantics = [#tpu.dimension_semantics<arbitrary>], iteration_bounds = array<i64: 2>, scalar_prefetch = 0 : i64, scratch_operands = 0 : i64, tpu.core_type = #tpu.core_type<tc>, window_params = [{transform_indices = @transform_0, window_bounds = array<i64: 5000, 256>}, {transform_indices = @transform_1, window_bounds = array<i64: 5000, 256>}, {transform_indices = @transform_2, window_bounds = array<i64: 5000, 1>}, {pipeline_mode = #tpu.pipeline_mode<synchronous>, transform_indices = @transform_3, window_bounds = array<i64: 256, 256>}, {pipeline_mode = #tpu.pipeline_mode<synchronous>, transform_indices = @transform_4, window_bounds = array<i64: 1, 256>}, {pipeline_mode = #tpu.pipeline_mode<synchronous>, transform_indices = @transform_5, window_bounds = array<i64: 512, 256>}, {pipeline_mode = #tpu.pipeline_mode<synchronous>, transform_indices = @transform_6, window_bounds = array<i64: 1, 256>}, {pipeline_mode = #tpu.pipeline_mode<synchronous>, transform_indices = @transform_7, window_bounds = array<i64: 256, 256>}, {pipeline_mode = #tpu.pipeline_mode<synchronous>, transform_indices = @transform_8, window_bounds = array<i64: 1, 256>}, {transform_indices = @transform_9, window_bounds = array<i64: 5000, 256>}]} {
    %get3A = arith.constant 0 : index
    %get3A_0 = arith.constant 0 : index
    %get3A_1 = vector.load %arg1[%get3A, %get3A_0] : memref<5000x256xf32, #tpu.memory_space<vmem>>, vector<5000x256xf32>
    %convert_element_type3A = arith.truncf %get3A_1 : vector<5000x256xf32> to vector<5000x256xbf16>
    %get3A_2 = arith.constant 0 : index
    %get3A_3 = arith.constant 0 : index
    %get3A_4 = vector.load %arg2[%get3A_2, %get3A_3] : memref<5000x256xf32, #tpu.memory_space<vmem>>, vector<5000x256xf32>
    %convert_element_type3A_5 = arith.truncf %get3A_4 : vector<5000x256xf32> to vector<5000x256xbf16>
    %get3A_6 = arith.constant 0 : index
    %get3A_7 = arith.constant 0 : index
    %get3A_8 = vector.load %arg4[%get3A_6, %get3A_7] : memref<256x256xf32, #tpu.memory_space<vmem>>, vector<256x256xf32>
    %convert_element_type3A_9 = arith.truncf %get3A_8 : vector<256x256xf32> to vector<256x256xbf16>
    %dot_general3A = arith.constant dense<0.000000e+00> : vector<5000x256xf32>
    %dot_general3A_10 = tpu.matmul %convert_element_type3A_5, %convert_element_type3A_9, %dot_general3A {dimension_numbers = #tpu.dot_dimension_numbers<[1], [0], [0], [1], [0, 0, 1, 1], [], []>, transpose_lhs_hint = false} : vector<5000x256xbf16>, vector<256x256xbf16>, vector<5000x256xf32> -> vector<5000x256xf32>
    %get3A_11 = arith.constant 0 : index
    %get3A_12 = arith.constant 0 : index
    %get3A_13 = vector.load %arg5[%get3A_11, %get3A_12] : memref<1x256xf32, #tpu.memory_space<vmem>>, vector<1x256xf32>
    %add3A = vector.broadcast %get3A_13 : vector<1x256xf32> to vector<5000x256xf32>
    %add3A_14 = arith.addf %dot_general3A_10, %add3A : vector<5000x256xf32>
    %convert_element_type3A_15 = arith.truncf %add3A_14 : vector<5000x256xf32> to vector<5000x256xbf16>
    %get3A_16 = arith.constant 0 : index
    %get3A_17 = arith.constant 0 : index
    %get3A_18 = vector.load %arg6[%get3A_16, %get3A_17] : memref<512x256xf32, #tpu.memory_space<vmem>>, vector<512x256xf32>
    %convert_element_type3A_19 = arith.truncf %get3A_18 : vector<512x256xf32> to vector<512x256xbf16>
    %slice3A = vector.extract_strided_slice %convert_element_type3A_19 {offsets = [0, 0], sizes = [256, 256], strides = [1, 1]} : vector<512x256xbf16> to vector<256x256xbf16>
    %dot_general3A_20 = arith.constant dense<0.000000e+00> : vector<5000x256xf32>
    %dot_general3A_21 = tpu.matmul %convert_element_type3A, %slice3A, %dot_general3A_20 {dimension_numbers = #tpu.dot_dimension_numbers<[1], [0], [0], [1], [0, 0, 1, 1], [], []>, transpose_lhs_hint = false} : vector<5000x256xbf16>, vector<256x256xbf16>, vector<5000x256xf32> -> vector<5000x256xf32>
    %slice3A_22 = vector.extract_strided_slice %convert_element_type3A_19 {offsets = [256, 0], sizes = [256, 256], strides = [1, 1]} : vector<512x256xbf16> to vector<256x256xbf16>
    %dot_general3A_23 = arith.constant dense<0.000000e+00> : vector<5000x256xf32>
    %dot_general3A_24 = tpu.matmul %convert_element_type3A_15, %slice3A_22, %dot_general3A_23 {dimension_numbers = #tpu.dot_dimension_numbers<[1], [0], [0], [1], [0, 0, 1, 1], [], []>, transpose_lhs_hint = false} : vector<5000x256xbf16>, vector<256x256xbf16>, vector<5000x256xf32> -> vector<5000x256xf32>
    %add3A_25 = arith.addf %dot_general3A_21, %dot_general3A_24 : vector<5000x256xf32>
    %get3A_26 = arith.constant 0 : index
    %get3A_27 = arith.constant 0 : index
    %get3A_28 = vector.load %arg7[%get3A_26, %get3A_27] : memref<1x256xf32, #tpu.memory_space<vmem>>, vector<1x256xf32>
    %add3A_29 = vector.broadcast %get3A_28 : vector<1x256xf32> to vector<5000x256xf32>
    %add3A_30 = arith.addf %add3A_25, %add3A_29 : vector<5000x256xf32>
    %neg3A = arith.constant 0.000000e+00 : f32
    %neg3A_31 = vector.broadcast %neg3A : f32 to vector<5000x256xf32>
    %neg3A_32 = arith.subf %neg3A_31, %add3A_30 : vector<5000x256xf32>
    %exp3A = math.exp %neg3A_32 : vector<5000x256xf32>
    %add3A_33 = arith.constant 1.000000e+00 : f32
    %add3A_34 = vector.broadcast %add3A_33 : f32 to vector<5000x256xf32>
    %add3A_35 = arith.addf %add3A_34, %exp3A : vector<5000x256xf32>
    %div3A = arith.constant 1.000000e+00 : f32
    %div3A_36 = vector.broadcast %div3A : f32 to vector<5000x256xf32>
    %div3A_37 = arith.divf %div3A_36, %add3A_35 : vector<5000x256xf32>
    %get3A_38 = arith.constant 0 : index
    %get3A_39 = arith.constant 0 : index
    %get3A_40 = vector.load %arg3[%get3A_38, %get3A_39] : memref<5000x1xf32, #tpu.memory_space<vmem>>, vector<5000x1xf32>
    %mul3A = vector.broadcast %get3A_40 : vector<5000x1xf32> to vector<5000x256xf32>
    %mul3A_41 = arith.mulf %mul3A, %div3A_37 : vector<5000x256xf32>
    %mul3A_42 = arith.mulf %mul3A_41, %add3A_14 : vector<5000x256xf32>
    %add3A_43 = arith.addf %get3A_1, %mul3A_42 : vector<5000x256xf32>
    %convert_element_type3A_44 = arith.truncf %add3A_43 : vector<5000x256xf32> to vector<5000x256xbf16>
    %get3A_45 = arith.constant 0 : index
    %get3A_46 = arith.constant 0 : index
    %get3A_47 = vector.load %arg8[%get3A_45, %get3A_46] : memref<256x256xf32, #tpu.memory_space<vmem>>, vector<256x256xf32>
    %convert_element_type3A_48 = arith.truncf %get3A_47 : vector<256x256xf32> to vector<256x256xbf16>
    %dot_general3A_49 = arith.constant dense<0.000000e+00> : vector<5000x256xf32>
    %dot_general3A_50 = tpu.matmul %convert_element_type3A_44, %convert_element_type3A_48, %dot_general3A_49 {dimension_numbers = #tpu.dot_dimension_numbers<[1], [0], [0], [1], [0, 0, 1, 1], [], []>, transpose_lhs_hint = false} : vector<5000x256xbf16>, vector<256x256xbf16>, vector<5000x256xf32> -> vector<5000x256xf32>
    %get3A_51 = arith.constant 0 : index
    %get3A_52 = arith.constant 0 : index
    %get3A_53 = vector.load %arg9[%get3A_51, %get3A_52] : memref<1x256xf32, #tpu.memory_space<vmem>>, vector<1x256xf32>
    %add3A_54 = vector.broadcast %get3A_53 : vector<1x256xf32> to vector<5000x256xf32>
    %add3A_55 = arith.addf %dot_general3A_50, %add3A_54 : vector<5000x256xf32>
    %jit3A = arith.constant 0.000000e+00 : f32
    %jit3A_56 = arith.constant 1.000000e+00 : f32
    %max3A = vector.broadcast %jit3A : f32 to vector<5000x256xf32>
    %max3A_57 = arith.maximumf %max3A, %add3A_55 : vector<5000x256xf32>
    %min3A = vector.broadcast %jit3A_56 : f32 to vector<5000x256xf32>
    %min3A_58 = arith.minimumf %min3A, %max3A_57 : vector<5000x256xf32>
    %swap3A = arith.constant 0 : index
    %swap3A_59 = arith.constant 0 : index
    %swap3A_60 = vector.load %arg10[%swap3A, %swap3A_59] : memref<5000x256xf32, #tpu.memory_space<vmem>>, vector<5000x256xf32>
    tpu.vector_store %arg10[%swap3A, %swap3A_59], %min3A_58 {strides = array<i32>} : memref<5000x256xf32, #tpu.memory_space<vmem>>, vector<5000x256xf32>,
    return
  }
  func.func @transform_0(%arg0: i32) -> (i32, i32) {
    %c0_i32 = arith.constant 0 : i32
    %c0_i32_0 = arith.constant 0 : i32
    return %arg0, %c0_i32 : i32, i32
  }
  func.func @transform_1(%arg0: i32) -> (i32, i32) {
    %c0_i32 = arith.constant 0 : i32
    %c0_i32_0 = arith.constant 0 : i32
    return %arg0, %c0_i32 : i32, i32
  }
  func.func @transform_2(%arg0: i32) -> (i32, i32) {
    %c0_i32 = arith.constant 0 : i32
    %c0_i32_0 = arith.constant 0 : i32
    return %arg0, %c0_i32 : i32, i32
  }
  func.func @transform_3(%arg0: i32) -> (i32, i32) {
    %c0_i32 = arith.constant 0 : i32
    %c0_i32_0 = arith.constant 0 : i32
    %c0_i32_1 = arith.constant 0 : i32
    return %c0_i32, %c0_i32_0 : i32, i32
  }
  func.func @transform_4(%arg0: i32) -> (i32, i32) {
    %c0_i32 = arith.constant 0 : i32
    %c0_i32_0 = arith.constant 0 : i32
    %c0_i32_1 = arith.constant 0 : i32
    return %c0_i32, %c0_i32_0 : i32, i32
  }
  func.func @transform_5(%arg0: i32) -> (i32, i32) {
    %c0_i32 = arith.constant 0 : i32
    %c0_i32_0 = arith.constant 0 : i32
    %c0_i32_1 = arith.constant 0 : i32
    return %c0_i32, %c0_i32_0 : i32, i32
  }
  func.func @transform_6(%arg0: i32) -> (i32, i32) {
    %c0_i32 = arith.constant 0 : i32
    %c0_i32_0 = arith.constant 0 : i32
    %c0_i32_1 = arith.constant 0 : i32
    return %c0_i32, %c0_i32_0 : i32, i32
  }
  func.func @transform_7(%arg0: i32) -> (i32, i32) {
    %c0_i32 = arith.constant 0 : i32
    %c0_i32_0 = arith.constant 0 : i32
    %c0_i32_1 = arith.constant 0 : i32
    return %c0_i32, %c0_i32_0 : i32, i32
  }
  func.func @transform_8(%arg0: i32) -> (i32, i32) {
    %c0_i32 = arith.constant 0 : i32
    %c0_i32_0 = arith.constant 0 : i32
    %c0_i32_1 = arith.constant 0 : i32
    return %c0_i32, %c0_i32_0 : i32, i32
  }
  func.func @transform_9(%arg0: i32) -> (i32, i32) {
    %c0_i32 = arith.constant 0 : i32
    %c0_i32_0 = arith.constant 0 : i32
    return %arg0, %c0_i32 : i32, i32
  }
}

</mosaic_0001>

<sc_bundles>
// kernel: kernel.4.cloned.1.call-start
scs
__scs_entry_jumppad:
0x0: {  	(pc) =	sbr.rel $0x88, $3  }
0x1: {  	(tag) =	ssettag $0x0;
	lr =	simm.s32 $0x1  }
0x2: {  	[smem:$0x3F98] =	sst lr;
	_ =	strace $0xD0000000  }
0x3: {  	_ = 	snop  }
0x4: {  	_ = 	snop  }
0x5: {  	_ = 	snop  }
0x6: {  	_ = 	snop  }
0x7: {  	_ = 	snop  }
__scs_overlays_trampoline_lowered:
0x8: {  	[smem:$0x3FA7] =	sst s0  }
0x9: {  	[smem:$0x3FA8] =	sst s1  }
0xa: {  	[smem:$0x3FA9] =	sst s2  }
0xb: {  	[smem:$0x3FAA] =	sst s3  }
0xc: {  	[smem:$0x3FAB] =	sst s4  }
0xd: {  	[smem:$0x3FAC] =	sst s5  }
0xe: {  	[smem:$0x3FAD] =	sst s6  }
0xf: {  	[smem:$0x3FAE] =	sst s7  }
0x10: {  	[smem:$0x3FAF] =	sst s8  }
0x11: {  	[smem:$0x3FB0] =	sst s9;
	s0 =	simm.s32 @!p0 $0x0  }
0x12: {  	s1 =	sld [smem:$0x3F96];
	s0 =	simm.s32 @p0 $0x1  }
0x13: {  	[smem:$0x3FB1] =	sst s0;
	s0 =	simm.s32 @!p1 $0x0  }
0x14: {  	s2 =	sld [smem:$0x3F95];
	s0 =	simm.s32 @p1 $0x1  }
0x15: {  	[smem:$0x3FB2] =	sst s0;
	s0 =	simm.s32 @!p2 $0x0  }
0x16: {  	s3 =	sld [smem:$0x3FDB];
	s0 =	simm.s32 @p2 $0x1  }
0x17: {  	s4 =	simm.s32 $0x1BF5;
	[smem:$0x3FB4] =	sst s0  }
0x18: {  	s0 =	sld [smem:$0x3F97];
	_ =	swait.ge [sflag:s4], $0x0  }
0x19: {  	s7 =	sld [smem:$0x3F98]  }
0x1a: {  	s8 =	sadd.s32 $0xFFFFE003, lr  }
0x1b: {  	s9 =	sadd.s32 $0xFFFFFEF7, lr;
	s5 =	simm.s32 $0xFFFFFFFF;
	p2 =	slt.u32 s8, $0xFFFFF086  }
0x1c: {  	p1 =	slt.u32 s9, $0xF7A;
	s5 =	simm.s32 @!p2 $0x0  }
0x1d: {  	s5 =	simm.s32 @p1 $0x1;
	p0 =	seq.s32 s7, s2  }
0x1e: {  	s7 =	smul.u32 @!p0 $0xF7A, s2;
	p2 =	seq.s32 @!p0 s5, $0x0  }
0x1f: {  	s9 =	smul.u32 $0xF7A, s1;
	s8 =	simm.s32 @!p0 $0x1BF5;
	p2 =	por !p2, p0  }
0x20: {  	[sflag:s8] =	ssyncset.s32 @!p0 $0xFFFFF086;
	s6 =	sadd.s32 @!p0 s3, s7;
	s7 =	simm.s32 @!p0 $0x108  }
0x21: {  	s3 =	sadd.s32 s3, s9;
	s6 =	sadd.s32 @!p0 $0x88, s6;
	s7 =	simm.s32 @p2 $0x1082  }
0x22: {  	[simem:s7], [sflag:s8] =	dma.local @!p0 [hbm:s6], $0xF7A  }
0x23: {  	s9 =	sor.u32 $0xD0000000, s2;
	s6 =	simm.s32 $0x108;
	_ =	swait.ge @!p0 [sflag:s8], $0x0  }
0x24: {  	s3 =	sadd.s32 $0x88, s3;
	s6 =	simm.s32 @!p1 $0x1082;
	[sflag:s4] =	ssyncset.s32 $0xFFFFF086  }
0x25: {  	[simem:s6], [sflag:s4] =	dma.local [hbm:s3], $0xF7A  }
0x26: {  	[smem:$0x3F98] =	sst s1;
	(tag) =	ssettag s2;
	_ =	strace s9  }
0x27: {  	s1 =	sld [smem:$0x3FA8]  }
0x28: {  	s2 =	sld [smem:$0x3FA9]  }
0x29: {  	s4 =	sld [smem:$0x3FAB]  }
0x2a: {  	p0 =	seq.s32 s5, $0x0;
	s5 =	sld [smem:$0x3FAC]  }
0x2b: {  	s6 =	sld [smem:$0x3FAD]  }
0x2c: {  	s7 =	sld [smem:$0x3FAE]  }
0x2d: {  	s3 =	simm.s32 $0x108;
	s8 =	sld [smem:$0x3FAF]  }
0x2e: {  	s3 =	simm.s32 @!p0 $0x1082;
	s9 =	sld [smem:$0x3FB0]  }
0x2f: {  	lr =	sadd.s32 s0, s3;
	s0 =	sld [smem:$0x3FA7]  }
0x30: {  	s3 =	sld [smem:$0x3FAA]  }
0x31: {  	[smem:$0x3FB3] =	sst s10  }
0x32: {  	s10 =	sld [smem:$0x3FB1];
	_ =	sdelay $0x3  }
0x33: {  	p0 =	seq.s32 s10, $0x1;
	s10 =	sld [smem:$0x3FB3];
	_ =	sdelay $0x3  }
0x34: {  	[smem:$0x3FB3] =	sst s10  }
0x35: {  	s10 =	sld [smem:$0x3FB2];
	_ =	sdelay $0x3  }
0x36: {  	p1 =	seq.s32 s10, $0x1;
	s10 =	sld [smem:$0x3FB3];
	_ =	sdelay $0x3  }
0x37: {  	[smem:$0x3FB3] =	sst s10  }
0x38: {  	s10 =	sld [smem:$0x3FB4]  }
0x39: {  	_ = 	snop;
	(pc) =	sbr.ind lr, $3  }
0x3a: {  	_ = 	snop  }
0x3b: {  	_ = 	snop  }
0x3c: {  	p2 =	seq.s32 s10, $0x1;
	s10 =	sld [smem:$0x3FB3]  }
0x3d: {  	_ =	shalt  }
0x3e: {  	_ =	shalt  }
0x3f: {  	_ =	shalt  }
0x40: {  	_ =	shalt  }
0x41: {  	_ =	shalt  }
0x42: {  	_ =	shalt  }
0x43: {  	_ =	shalt  }
0x44: {  	_ =	shalt  }
0x45: {  	_ =	shalt  }
0x46: {  	_ =	shalt  }
0x47: {  	_ =	shalt  }
0x48: {  	_ =	shalt  }
0x49: {  	_ =	shalt  }
0x4a: {  	_ =	shalt  }
0x4b: {  	_ =	shalt  }
0x4c: {  	_ =	shalt  }
0x4d: {  	_ =	shalt  }
0x4e: {  	_ =	shalt  }
0x4f: {  	_ =	shalt  }
0x50: {  	_ =	shalt  }
0x51: {  	_ =	shalt  }
0x52: {  	_ =	shalt  }
0x53: {  	_ =	shalt  }
0x54: {  	_ =	shalt  }
0x55: {  	_ =	shalt  }
0x56: {  	_ =	shalt  }
0x57: {  	_ =	shalt  }
0x58: {  	_ =	shalt  }
0x59: {  	_ =	shalt  }
0x5a: {  	_ =	shalt  }
0x5b: {  	_ =	shalt  }
0x5c: {  	_ =	shalt  }
0x5d: {  	_ =	shalt  }
0x5e: {  	_ =	shalt  }
0x5f: {  	_ =	shalt  }
0x60: {  	_ =	shalt  }
0x61: {  	_ =	shalt  }
0x62: {  	_ =	shalt  }
0x63: {  	_ =	shalt  }
0x64: {  	_ =	shalt  }
0x65: {  	_ =	shalt  }
0x66: {  	_ =	shalt  }
0x67: {  	_ =	shalt  }
0x68: {  	_ =	shalt  }
0x69: {  	_ =	shalt  }
0x6a: {  	_ =	shalt  }
0x6b: {  	_ =	shalt  }
0x6c: {  	_ =	shalt  }
0x6d: {  	_ =	shalt  }
0x6e: {  	_ =	shalt  }
0x6f: {  	_ =	shalt  }
0x70: {  	_ =	shalt  }
0x71: {  	_ =	shalt  }
0x72: {  	_ =	shalt  }
0x73: {  	_ =	shalt  }
0x74: {  	_ =	shalt  }
0x75: {  	_ =	shalt  }
0x76: {  	_ =	shalt  }
0x77: {  	_ =	shalt  }
0x78: {  	_ =	shalt  }
0x79: {  	_ =	shalt  }
0x7a: {  	_ =	shalt  }
0x7b: {  	_ =	shalt  }
0x7c: {  	_ =	shalt  }
0x7d: {  	_ =	shalt  }
0x7e: {  	_ =	shalt  }
0x7f: {  	_ =	shalt  }
0x80: {  	_ =	shalt  }
0x81: {  	_ =	shalt  }
0x82: {  	_ =	shalt  }
0x83: {  	_ =	shalt  }
0x84: {  	_ =	shalt  }
0x85: {  	_ =	shalt  }
0x86: {  	_ =	shalt  }
0x87: {  	_ =	shalt  }
.Lfunc_end0:
.L_simem_size_0:
called_computation_lowered:
.L_overlay_start_0:
0x88: {  	s2 =	sld [smem:$0x3FD9]  }
0x89: {  	s3 =	sld [smem:$0x3FFE];
	_ =	sdelay $0x1  }
0x8a: {  	s1 =	srdreg.scid  }
0x8b: {  	s0 =	sand.u32 $0x1, s1  }
0x8c: {  	s17 =	sshll.u32 s0, $0xA;
	s2 =	sadd.s32 s3, s2  }
0x8d: {  	s2 =	sadd.s32 s2, s17  }
0x8e: {  	[smem:$0x3FBF] =	sst s2  }
0x8f: {  	_ = 	snop  }
0x90: {  	s2 =	sld [smem:$0x3FC9]  }
0x91: {  	s18 =	sld [smem:$0x3FC8];
	(tm) =	ssettm $0x1  }
0x92: {  	s4 =	sld [smem:$0x3FFB];
	_ =	sdelay $0x3  }
0x93: {  	_ =	strace s4  }
0x94: {  	s4 =	sld [smem:$0x3FFC];
	_ =	sdelay $0x3  }
0x95: {  	_ =	strace s4  }
0x96: {  	s4 =	sld [smem:$0x3FFD];
	_ =	sdelay $0x3  }
0x97: {  	_ =	strace s4  }
0x98: {  	_ =	strace $0x8FFFFFFF  }
0x99: {  	s19 =	sld [smem:$0x3FDB];
	_ =	sdelay $0x1  }
0x9a: {  	s5 =	simm.s32 $_scs_section_size  }
0x9b: {  	s6 =	simm.s32 $_size__tile_overlayer_lowered;
	s7 =	simm.s32 $_tile_overlayer_lowered  }
0x9c: {  	s22 =	simm.s32 $0x1BFF;
	s21 =	sshll.u32 s7, $0x1;
	s4 =	sadd.s32 s5, s19  }
0x9d: {  	s8 =	simm.s32 $0x0;
	s20 =	sshll.u32 s6, $0x1;
	s6 =	sadd.s32 s21, s4  }
0x9e: {  	[timem:s8], [sflag:s22] =	dma.local [hbm:s6], s20  }
0x9f: {  	_ =	swait.ge [sflag:s22], s20  }
0xa0: {  	s5 =	ssub.s32 $0x0, s20;
	[sflag:s22] =	ssyncset.done $0x0  }
0xa1: {  	[sflag:s22] =	ssyncadd.s32 s5;
	_ =	sdelay $0x1  }
0xa2: {  	s23 =	simm.s32 $0x1B8B  }
0xa3: {  	_ =	swait.ge [sflag:s23], $0x1  }
0xa4: {  	[sflag:s23] =	ssyncset.done $0x0  }
0xa5: {  	s25 =	simm.s32 $0x1B8E;
	s24 =	sld [smem:$0x3FFE];
	[sflag:s23] =	ssyncadd.s32 $0xFFFFFFFF  }
0xa6: {  	s26 =	simm.s32 $execute0_lowered;
	[smem:$0x3FD2] =	sst s25  }
0xa7: {  	s6 =	sshll.u32 s26, $0x1;
	_ =	strace $0x80000046;
	[dreg:$0x1] =	wrdreg $0xFFFFFFFF  }
0xa8: {  	s28 =	simm.s32 $_size_execute0_lowered;
	s4 =	sadd.s32 s4, s6;
	[dreg:$0x0] =	wrdreg $0x0  }
0xa9: {  	s6 =	sshll.u32 s28, $0x1;
	[dreg:$0x2] =	wrdreg s4  }
0xaa: {  	[dreg:$0x3] =	wrdreg s6  }
0xab: {  	[dreg:$0x4] =	wrdreg $0xC0  }
0xac: {  	_ =	task [dreg:s8], $0x5FFFF  }
0xad: {  	[dreg:$0x1] =	wrdreg $0xFFFFFFFF  }
0xae: {  	[dreg:$0x0] =	wrdreg $0x60  }
0xaf: {  	[dreg:$0x2] =	wrdreg s2  }
0xb0: {  	[dreg:$0x3] =	wrdreg s18  }
0xb1: {  	[dreg:$0x4] =	wrdreg s24  }
0xb2: {  	[dreg:$0x5] =	wrdreg $0x9  }
0xb3: {  	_ =	task.clear_ibuf [dreg:s8], $0x6FFFF;
	_ =	strace $0x90000046  }
0xb4: {  	s29 =	simm.s32 $0x9;
	_ =	strace $0x80000048  }
0xb5: {  	_ =	swait.ge [sflag:s29], $0x1  }
0xb6: {  	[sflag:s29] =	ssyncadd.s32 $0xFFFFFFFF  }
0xb7: {  	_ =	strace $0x90000048  }
0xb8: {  	_ =	sfence  }
0xb9: {  	s30 =	sld [smem:$0x0];
	_ =	sdelay $0x2  }
0xba: {  	s31 =	sshll.u32 s1, $0xD;
	s1 =	sshrl.u32 s1, $0x2  }
0xbb: {  	s3 =	sand.u32 $0x4000, s31;
	s1 =	sadd.s32 s1, s30  }
0xbc: {  	s0 =	sor.u32 s3, s0;
	s1 =	sshll.u32 s1, $0x11  }
0xbd: {  	s0 =	sor.u32 s1, s0  }
0xbe: {  	s0 =	sadd.s32 $0x8F2B, s0  }
0xbf: {  	[sflag:s0] =	ssyncadd.remote.s32 $0x1  }
0xc0: {  	_ =	sfence.sel $0xFFFF  }
0xc1: {  	[dreg:$0x0] =	wrdreg $0xFFFFFFFF;
	(pc) =	sbr.abs _section_cstart, $3  }
0xc2: {  	[dreg:$0x1] =	wrdreg $0xFFFFFFFF  }
0xc3: {  	_ =	task.clear_ibuf [dreg:s8], $0x2FFFF;
	_ =	strace $0x9FFFFFFF  }
0xc4: {  	(tm) =	ssettm $0x7FFFFFFF  }
0xc5: {  	_ =	shalt  }
tec
execute0_lowered:
.L_overlay_start_1:
0x0: {  	(tag) =	ssettag $0x1  }
0x1: {  	s1 =	rddreg [dreg:$0x0]  }
0x2: {  	s0 =	stileid.u32;
	s4 =	rddreg [dreg:$0x1]  }
0x3: {  	s2 =	srdreg.scid;
	s6 =	rddreg [dreg:$0x2];
	s8 =	simm.s32 $0x1180  }
0x4: {  	s9 =	simm.s32 $0x1980;
	s10 =	simm.s32 $0x2180;
	s11 =	simm.s32 $0x2980  }
0x5: {  	s12 =	simm.s32 $0x3180;
	s13 =	simm.s32 $0x3980;
	s14 =	simm.s32 $0x4180  }
0x6: {  	s15 =	simm.s32 $0x4980;
	s16 =	simm.s32 $0x5180;
	s17 =	simm.s32 $0x5980  }
0x7: {  	s23 =	simm.s32 $0x7980;
	s18 =	simm.s32 $0x6180;
	s3 =	smul.u32 $0x150, s0  }
0x8: {  	s24 =	simm.s32 $0x8180;
	s25 =	simm.s32 $0x8980;
	s2 =	sand.u32 $0x1, s2  }
0x9: {  	s26 =	simm.s32 $0x9180;
	p0 =	seq.s32 s2, $0x0;
	s5 =	sadd.s32 $0x1500, s3  }
0xa: {  	s28 =	simm.s32 $0xC980;
	s5 =	smov.u32 @p0 s3;
	s3 =	simm.s32 $0x0  }
0xb: {  	s29 =	simm.s32 $0xD180;
	s30 =	simm.s32 $0xD980;
	[smem:$0x7FF] =	sst s3  }
0xc: {  	s2 =	ssub.s32 $0x2, s2;
	_ =	strace $0x80000047;
	[dreg:$0x8] =	wrdreg s23  }
0xd: {  	s31 =	simm.s32 $0x1;
	s21 =	sshrl.u32 s2, $0x1;
	[dreg:$0x9] =	wrdreg s24  }
0xe: {  	s2 =	ssub.s32 s2, s21;
	s5 =	smin.u32 s5, $0x25C0;
	[dreg:$0xa] =	wrdreg s25  }
0xf: {  	s7 =	sshll.u32 s5, $0x5;
	s5 =	sshrl.u32 s5, $0x3;
	[dreg:$0xb] =	wrdreg s26  }
0x10: {  	s23 =	simm.s32 $0xA980;
	s24 =	simm.s32 $0xB180;
	s25 =	simm.s32 $0xB980  }
0x11: {  	s26 =	simm.s32 $0xC180;
	s6 =	sadd.s32 s7, s6;
	s4 =	sadd.s32 s4, s5  }
0x12: {  	s5 =	simm.s32 $0x3;
	[dreg:$0x4] =	wrdreg s4;
	s19 =	sadd.s32 $0x1400, s6  }
0x13: {  	s7 =	simm.s32 $0x980;
	s20 =	sadd.s32 $0x2200, s6;
	[dreg:$0x5] =	wrdreg s19  }
0x14: {  	v2 =	vlaneseq.u32;
	s22 =	sadd.s32 $0x3000, s6;
	s4 =	smax.u32 s2, $0x1;
	[dreg:$0x6] =	wrdreg s20  }
0x15: {  	vm0 =	vmmov $0xffff;
	v1 =	vshrl.u32 v2, $0x3;
	s6 =	simm.s32 $0x180;
	s2 =	simm.s32 $0x2;
	[dreg:$0x7] =	wrdreg s22  }
0x16: {  	v0 =	vand.u32 $0x7, v2;
	v2 =	vor.u32 $0x8, v2;
	v1 =	vmul.u32 $0x8, v1;
	s19 =	simm.s32 $0x6980;
	s20 =	simm.s32 $0x7180;
	s22 =	simm.s32 $0xA180  }
.LBB2_1:
0x17: {  	s0 =	rddreg [dreg:$0x4]  }
0x18: {  	[tilespmem:s3], [sflag:$0x3] =	stream.linear.gather [hbm4b:s0+s3], $0x150, $0x38;
	[tilespmem:$0xE180] =	vst v63  }
0x19: {  	_ =	swait.ge [sflag:s5], $0x150  }
0x1a: {  	[sflag:s5] =	ssyncset.done $0x0  }
0x1b: {  	[sflag:s5] =	ssyncadd.s32 $0xFFFFFEB0  }
0x1c: {  	v3 =	vld [tilespmem:$0x0];
	_ =	sdelay $0x4  }
0x1d: {  	v4 =	vshll.u32 v3, $0x1  }
0x1e: {  	v3 =	vand.u32 $0x7, v3;
	v4 =	vand.u32 $0xFFFFFFF0, v4  }
0x1f: {  	v3 =	vor.u32 v3, v4  }
0x20: {  	v4 =	vperm.xlane v3, v0;
	_ =	sdelay $0x1  }
0x21: {  	v3 =	vperm.xlane v3, v2;
	v4 =	vadd.s32 v1, v4;
	_ =	sdelay $0x1  }
0x22: {  	v3 =	vadd.s32 v1, v3;
	_ =	sdelay $0x2  }
0x23: {  	[tilespmem:s6], [sflag:$0x1] =	stream.indirect_vreg.gather [hbm4b:s1+s3], $0x80, v4, vm0, $0xb8;
	[tilespmem:$0xE180] =	vst v63  }
0x24: {  	_ = 	snop  }
0x25: {  	[tilespmem:s7], [sflag:$0x1] =	stream.indirect_vreg.gather [hbm4b:s1+s3], $0x80, v3, vm0, $0xb8;
	[tilespmem:$0xE180] =	vst v63  }
0x26: {  	v3 =	vld [tilespmem:$0x10];
	_ =	sdelay $0x4  }
0x27: {  	v44 =	vshll.u32 v3, $0x1  }
0x28: {  	v3 =	vand.u32 $0x7, v3;
	v4 =	vand.u32 $0xFFFFFFF0, v44  }
0x29: {  	v3 =	vor.u32 v3, v4  }
0x2a: {  	v4 =	vperm.xlane v3, v0;
	_ =	sdelay $0x1  }
0x2b: {  	v3 =	vperm.xlane v3, v2;
	v4 =	vadd.s32 v1, v4;
	_ =	sdelay $0x1  }
0x2c: {  	v3 =	vadd.s32 v1, v3;
	_ =	sdelay $0x2  }
0x2d: {  	[tilespmem:s8], [sflag:$0x1] =	stream.indirect_vreg.gather [hbm4b:s1+s3], $0x80, v4, vm0, $0xb8;
	[tilespmem:$0xE180] =	vst v63  }
0x2e: {  	_ = 	snop  }
0x2f: {  	[tilespmem:s9], [sflag:$0x1] =	stream.indirect_vreg.gather [hbm4b:s1+s3], $0x80, v3, vm0, $0xb8;
	[tilespmem:$0xE180] =	vst v63  }
0x30: {  	v3 =	vld [tilespmem:$0x20];
	_ =	sdelay $0x4  }
0x31: {  	v45 =	vshll.u32 v3, $0x1  }
0x32: {  	v3 =	vand.u32 $0x7, v3;
	v4 =	vand.u32 $0xFFFFFFF0, v45  }
0x33: {  	v3 =	vor.u32 v3, v4  }
0x34: {  	v4 =	vperm.xlane v3, v0;
	_ =	sdelay $0x1  }
0x35: {  	v3 =	vperm.xlane v3, v2;
	v4 =	vadd.s32 v1, v4;
	_ =	sdelay $0x1  }
0x36: {  	v3 =	vadd.s32 v1, v3;
	_ =	sdelay $0x2  }
0x37: {  	[tilespmem:s10], [sflag:$0x1] =	stream.indirect_vreg.gather [hbm4b:s1+s3], $0x80, v4, vm0, $0xb8;
	[tilespmem:$0xE180] =	vst v63  }
0x38: {  	_ = 	snop  }
0x39: {  	[tilespmem:s11], [sflag:$0x1] =	stream.indirect_vreg.gather [hbm4b:s1+s3], $0x80, v3, vm0, $0xb8;
	[tilespmem:$0xE180] =	vst v63  }
0x3a: {  	v3 =	vld [tilespmem:$0x30];
	_ =	sdelay $0x4  }
0x3b: {  	v46 =	vshll.u32 v3, $0x1  }
0x3c: {  	v3 =	vand.u32 $0x7, v3;
	v4 =	vand.u32 $0xFFFFFFF0, v46  }
0x3d: {  	v3 =	vor.u32 v3, v4  }
0x3e: {  	v4 =	vperm.xlane v3, v0;
	_ =	sdelay $0x1  }
0x3f: {  	v3 =	vperm.xlane v3, v2;
	v4 =	vadd.s32 v1, v4;
	_ =	sdelay $0x1  }
0x40: {  	v3 =	vadd.s32 v1, v3;
	_ =	sdelay $0x2  }
0x41: {  	[tilespmem:s12], [sflag:$0x1] =	stream.indirect_vreg.gather [hbm4b:s1+s3], $0x80, v4, vm0, $0xb8;
	[tilespmem:$0xE180] =	vst v63  }
0x42: {  	_ = 	snop  }
0x43: {  	[tilespmem:s13], [sflag:$0x1] =	stream.indirect_vreg.gather [hbm4b:s1+s3], $0x80, v3, vm0, $0xb8;
	[tilespmem:$0xE180] =	vst v63  }
0x44: {  	v3 =	vld [tilespmem:$0x40];
	_ =	sdelay $0x4  }
0x45: {  	v47 =	vshll.u32 v3, $0x1  }
0x46: {  	v3 =	vand.u32 $0x7, v3;
	v4 =	vand.u32 $0xFFFFFFF0, v47  }
0x47: {  	v3 =	vor.u32 v3, v4  }
0x48: {  	v4 =	vperm.xlane v3, v0;
	_ =	sdelay $0x1  }
0x49: {  	v3 =	vperm.xlane v3, v2;
	v4 =	vadd.s32 v1, v4;
	_ =	sdelay $0x1  }
0x4a: {  	v3 =	vadd.s32 v1, v3;
	_ =	sdelay $0x2  }
0x4b: {  	[tilespmem:s14], [sflag:$0x1] =	stream.indirect_vreg.gather [hbm4b:s1+s3], $0x80, v4, vm0, $0xb8;
	[tilespmem:$0xE180] =	vst v63  }
0x4c: {  	_ = 	snop  }
0x4d: {  	[tilespmem:s15], [sflag:$0x1] =	stream.indirect_vreg.gather [hbm4b:s1+s3], $0x80, v3, vm0, $0xb8;
	[tilespmem:$0xE180] =	vst v63  }
0x4e: {  	v3 =	vld [tilespmem:$0x50];
	_ =	sdelay $0x4  }
0x4f: {  	v48 =	vshll.u32 v3, $0x1  }
0x50: {  	v3 =	vand.u32 $0x7, v3;
	v4 =	vand.u32 $0xFFFFFFF0, v48  }
0x51: {  	v3 =	vor.u32 v3, v4  }
0x52: {  	v4 =	vperm.xlane v3, v0;
	_ =	sdelay $0x1  }
0x53: {  	v3 =	vperm.xlane v3, v2;
	v4 =	vadd.s32 v1, v4;
	_ =	sdelay $0x1  }
0x54: {  	v3 =	vadd.s32 v1, v3;
	_ =	sdelay $0x2  }
0x55: {  	[tilespmem:s16], [sflag:$0x1] =	stream.indirect_vreg.gather [hbm4b:s1+s3], $0x80, v4, vm0, $0xb8;
	[tilespmem:$0xE180] =	vst v63  }
0x56: {  	_ = 	snop  }
0x57: {  	[tilespmem:s17], [sflag:$0x1] =	stream.indirect_vreg.gather [hbm4b:s1+s3], $0x80, v3, vm0, $0xb8;
	[tilespmem:$0xE180] =	vst v63  }
0x58: {  	v3 =	vld [tilespmem:$0x60];
	_ =	sdelay $0x4  }
0x59: {  	v49 =	vshll.u32 v3, $0x1  }
0x5a: {  	v3 =	vand.u32 $0x7, v3;
	v4 =	vand.u32 $0xFFFFFFF0, v49  }
0x5b: {  	v3 =	vor.u32 v3, v4  }
0x5c: {  	v4 =	vperm.xlane v3, v0;
	_ =	sdelay $0x1  }
0x5d: {  	v3 =	vperm.xlane v3, v2;
	v4 =	vadd.s32 v1, v4;
	_ =	sdelay $0x1  }
0x5e: {  	v3 =	vadd.s32 v1, v3;
	_ =	sdelay $0x2  }
0x5f: {  	[tilespmem:s18], [sflag:$0x1] =	stream.indirect_vreg.gather [hbm4b:s1+s3], $0x80, v4, vm0, $0xb8;
	[tilespmem:$0xE180] =	vst v63  }
0x60: {  	_ = 	snop  }
0x61: {  	[tilespmem:s19], [sflag:$0x1] =	stream.indirect_vreg.gather [hbm4b:s1+s3], $0x80, v3, vm0, $0xb8;
	[tilespmem:$0xE180] =	vst v63  }
0x62: {  	v3 =	vld [tilespmem:$0x70];
	_ =	sdelay $0x4  }
0x63: {  	v50 =	vshll.u32 v3, $0x1  }
0x64: {  	v3 =	vand.u32 $0x7, v3;
	v4 =	vand.u32 $0xFFFFFFF0, v50  }
0x65: {  	v3 =	vor.u32 v3, v4  }
0x66: {  	v4 =	vperm.xlane v3, v0;
	_ =	sdelay $0x1  }
0x67: {  	v3 =	vperm.xlane v3, v2;
	v4 =	vadd.s32 v1, v4;
	_ =	sdelay $0x1  }
0x68: {  	v3 =	vadd.s32 v1, v3;
	_ =	sdelay $0x2  }
0x69: {  	[tilespmem:s20], [sflag:$0x2] =	stream.indirect_vreg.gather [hbm4b:s1+s3], $0x80, v4, vm0, $0xb8;
	[tilespmem:$0xE180] =	vst v63  }
0x6a: {  	s21 =	rddreg [dreg:$0x8]  }
0x6b: {  	[tilespmem:s21], [sflag:$0x2] =	stream.indirect_vreg.gather [hbm4b:s1+s3], $0x80, v3, vm0, $0xb8;
	[tilespmem:$0xE180] =	vst v63  }
0x6c: {  	v3 =	vld [tilespmem:$0x80];
	_ =	sdelay $0x4  }
0x6d: {  	v51 =	vshll.u32 v3, $0x1  }
0x6e: {  	v3 =	vand.u32 $0x7, v3;
	v4 =	vand.u32 $0xFFFFFFF0, v51  }
0x6f: {  	v3 =	vor.u32 v3, v4  }
0x70: {  	v4 =	vperm.xlane v3, v0;
	_ =	sdelay $0x1  }
0x71: {  	v3 =	vperm.xlane v3, v2;
	v4 =	vadd.s32 v1, v4;
	_ =	sdelay $0x1  }
0x72: {  	v3 =	vadd.s32 v1, v3;
	_ =	sdelay $0x1  }
0x73: {  	s0 =	rddreg [dreg:$0x9]  }
0x74: {  	[tilespmem:s0], [sflag:$0x2] =	stream.indirect_vreg.gather [hbm4b:s1+s3], $0x80, v4, vm0, $0xb8;
	[tilespmem:$0xE180] =	vst v63  }
0x75: {  	s21 =	rddreg [dreg:$0xa]  }
0x76: {  	[tilespmem:s21], [sflag:$0x2] =	stream.indirect_vreg.gather [hbm4b:s1+s3], $0x80, v3, vm0, $0xb8;
	[tilespmem:$0xE180] =	vst v63  }
0x77: {  	v3 =	vld [tilespmem:$0x90];
	_ =	sdelay $0x4  }
0x78: {  	v52 =	vshll.u32 v3, $0x1  }
0x79: {  	v3 =	vand.u32 $0x7, v3;
	v4 =	vand.u32 $0xFFFFFFF0, v52  }
0x7a: {  	v3 =	vor.u32 v3, v4  }
0x7b: {  	v4 =	vperm.xlane v3, v0;
	_ =	sdelay $0x1  }
0x7c: {  	v3 =	vperm.xlane v3, v2;
	v4 =	vadd.s32 v1, v4;
	_ =	sdelay $0x1  }
0x7d: {  	v3 =	vadd.s32 v1, v3;
	_ =	sdelay $0x1  }
0x7e: {  	s21 =	rddreg [dreg:$0xb]  }
0x7f: {  	[tilespmem:s21], [sflag:$0x2] =	stream.indirect_vreg.gather [hbm4b:s1+s3], $0x80, v4, vm0, $0xb8;
	[tilespmem:$0xE180] =	vst v63  }
0x80: {  	s21 =	simm.s32 $0x9980  }
0x81: {  	[tilespmem:s21], [sflag:$0x2] =	stream.indirect_vreg.gather [hbm4b:s1+s3], $0x80, v3, vm0, $0xb8;
	[tilespmem:$0xE180] =	vst v63  }
0x82: {  	v3 =	vld [tilespmem:$0xA0];
	_ =	sdelay $0x4  }
0x83: {  	v53 =	vshll.u32 v3, $0x1  }
0x84: {  	v3 =	vand.u32 $0x7, v3;
	v4 =	vand.u32 $0xFFFFFFF0, v53  }
0x85: {  	v3 =	vor.u32 v3, v4  }
0x86: {  	v4 =	vperm.xlane v3, v0;
	_ =	sdelay $0x1  }
0x87: {  	v3 =	vperm.xlane v3, v2;
	v4 =	vadd.s32 v1, v4;
	_ =	sdelay $0x1  }
0x88: {  	v3 =	vadd.s32 v1, v3;
	_ =	sdelay $0x2  }
0x89: {  	[tilespmem:s22], [sflag:$0x2] =	stream.indirect_vreg.gather [hbm4b:s1+s3], $0x80, v4, vm0, $0xb8;
	[tilespmem:$0xE180] =	vst v63  }
0x8a: {  	_ = 	snop  }
0x8b: {  	[tilespmem:s23], [sflag:$0x2] =	stream.indirect_vreg.gather [hbm4b:s1+s3], $0x80, v3, vm0, $0xb8;
	[tilespmem:$0xE180] =	vst v63  }
0x8c: {  	v3 =	vld [tilespmem:$0xB0];
	_ =	sdelay $0x4  }
0x8d: {  	v54 =	vshll.u32 v3, $0x1  }
0x8e: {  	v3 =	vand.u32 $0x7, v3;
	v4 =	vand.u32 $0xFFFFFFF0, v54  }
0x8f: {  	v3 =	vor.u32 v3, v4  }
0x90: {  	v4 =	vperm.xlane v3, v0;
	_ =	sdelay $0x1  }
0x91: {  	v3 =	vperm.xlane v3, v2;
	v4 =	vadd.s32 v1, v4;
	_ =	sdelay $0x1  }
0x92: {  	v3 =	vadd.s32 v1, v3;
	_ =	sdelay $0x2  }
0x93: {  	[tilespmem:s24], [sflag:$0x2] =	stream.indirect_vreg.gather [hbm4b:s1+s3], $0x80, v4, vm0, $0xb8;
	[tilespmem:$0xE180] =	vst v63  }
0x94: {  	_ = 	snop  }
0x95: {  	[tilespmem:s25], [sflag:$0x2] =	stream.indirect_vreg.gather [hbm4b:s1+s3], $0x80, v3, vm0, $0xb8;
	[tilespmem:$0xE180] =	vst v63  }
0x96: {  	v3 =	vld [tilespmem:$0xC0];
	_ =	sdelay $0x4  }
0x97: {  	v55 =	vshll.u32 v3, $0x1  }
0x98: {  	v3 =	vand.u32 $0x7, v3;
	v4 =	vand.u32 $0xFFFFFFF0, v55  }
0x99: {  	v3 =	vor.u32 v3, v4  }
0x9a: {  	v4 =	vperm.xlane v3, v0;
	_ =	sdelay $0x1  }
0x9b: {  	v3 =	vperm.xlane v3, v2;
	v4 =	vadd.s32 v1, v4;
	_ =	sdelay $0x1  }
0x9c: {  	v3 =	vadd.s32 v1, v3;
	_ =	sdelay $0x2  }
0x9d: {  	[tilespmem:s26], [sflag:$0x2] =	stream.indirect_vreg.gather [hbm4b:s1+s3], $0x80, v4, vm0, $0xb8;
	[tilespmem:$0xE180] =	vst v63  }
0x9e: {  	_ = 	snop  }
0x9f: {  	[tilespmem:s28], [sflag:$0x2] =	stream.indirect_vreg.gather [hbm4b:s1+s3], $0x80, v3, vm0, $0xb8;
	[tilespmem:$0xE180] =	vst v63  }
0xa0: {  	v3 =	vld [tilespmem:$0xD0];
	_ =	sdelay $0x4  }
0xa1: {  	v56 =	vshll.u32 v3, $0x1  }
0xa2: {  	v3 =	vand.u32 $0x7, v3;
	v4 =	vand.u32 $0xFFFFFFF0, v56  }
0xa3: {  	v3 =	vor.u32 v3, v4  }
0xa4: {  	v4 =	vperm.xlane v3, v0;
	_ =	sdelay $0x1  }
0xa5: {  	v3 =	vperm.xlane v3, v2;
	v4 =	vadd.s32 v1, v4;
	_ =	sdelay $0x1  }
0xa6: {  	v3 =	vadd.s32 v1, v3;
	_ =	sdelay $0x2  }
0xa7: {  	[tilespmem:s29], [sflag:$0x2] =	stream.indirect_vreg.gather [hbm4b:s1+s3], $0x80, v4, vm0, $0xb8;
	[tilespmem:$0xE180] =	vst v63  }
0xa8: {  	_ = 	snop  }
0xa9: {  	[tilespmem:s30], [sflag:$0x2] =	stream.indirect_vreg.gather [hbm4b:s1+s3], $0x80, v3, vm0, $0xb8;
	[tilespmem:$0xE180] =	vst v63  }
0xaa: {  	_ =	swait.ge [sflag:s31], $0x7000  }
0xab: {  	[sflag:s31] =	ssyncset.done $0x0  }
0xac: {  	s21 =	rddreg [dreg:$0x5];
	[sflag:s31] =	ssyncadd.s32 $0xFFFF9000  }
0xad: {  	[hbm4b:s21+s3] =	stream.linear.scatter [tilespmem:s6], [sflag:$0x3], $0x7000, $0x38;
	[tilespmem:$0xE180] =	vst v63  }
0xae: {  	_ =	swait.ge [sflag:s5], $0x7000  }
0xaf: {  	[sflag:s5] =	ssyncset.done $0x0  }
0xb0: {  	[sflag:s5] =	ssyncadd.s32 $0xFFFF9000  }
0xb1: {  	_ =	swait.ge [sflag:s2], $0x7000  }
0xb2: {  	[sflag:s2] =	ssyncset.done $0x0  }
0xb3: {  	s21 =	rddreg [dreg:$0x6];
	[sflag:s2] =	ssyncadd.s32 $0xFFFF9000  }
0xb4: {  	[hbm4b:s21+s3] =	stream.linear.scatter [tilespmem:s20], [sflag:$0x3], $0x7000, $0x38;
	[tilespmem:$0xE180] =	vst v63  }
0xb5: {  	_ =	swait.ge [sflag:s5], $0x7000  }
0xb6: {  	[sflag:s5] =	ssyncset.done $0x0  }
0xb7: {  	[sflag:s5] =	ssyncadd.s32 $0xFFFF9000  }
0xb8: {  	v3 =	vld [tilespmem:$0xE0];
	_ =	sdelay $0x4  }
0xb9: {  	v57 =	vshll.u32 v3, $0x1  }
0xba: {  	v3 =	vand.u32 $0x7, v3;
	v4 =	vand.u32 $0xFFFFFFF0, v57  }
0xbb: {  	v3 =	vor.u32 v3, v4  }
0xbc: {  	v4 =	vperm.xlane v3, v0;
	_ =	sdelay $0x1  }
0xbd: {  	v3 =	vperm.xlane v3, v2;
	v4 =	vadd.s32 v1, v4;
	_ =	sdelay $0x1  }
0xbe: {  	v3 =	vadd.s32 v1, v3;
	_ =	sdelay $0x2  }
0xbf: {  	[tilespmem:s6], [sflag:$0x1] =	stream.indirect_vreg.gather [hbm4b:s1+s3], $0x80, v4, vm0, $0xb8;
	[tilespmem:$0xE180] =	vst v63  }
0xc0: {  	_ = 	snop  }
0xc1: {  	[tilespmem:s7], [sflag:$0x1] =	stream.indirect_vreg.gather [hbm4b:s1+s3], $0x80, v3, vm0, $0xb8;
	[tilespmem:$0xE180] =	vst v63  }
0xc2: {  	v3 =	vld [tilespmem:$0xF0];
	_ =	sdelay $0x4  }
0xc3: {  	v58 =	vshll.u32 v3, $0x1  }
0xc4: {  	v3 =	vand.u32 $0x7, v3;
	v4 =	vand.u32 $0xFFFFFFF0, v58  }
0xc5: {  	v3 =	vor.u32 v3, v4  }
0xc6: {  	v4 =	vperm.xlane v3, v0;
	_ =	sdelay $0x1  }
0xc7: {  	v3 =	vperm.xlane v3, v2;
	v4 =	vadd.s32 v1, v4;
	_ =	sdelay $0x1  }
0xc8: {  	v3 =	vadd.s32 v1, v3;
	_ =	sdelay $0x2  }
0xc9: {  	[tilespmem:s8], [sflag:$0x1] =	stream.indirect_vreg.gather [hbm4b:s1+s3], $0x80, v4, vm0, $0xb8;
	[tilespmem:$0xE180] =	vst v63  }
0xca: {  	_ = 	snop  }
0xcb: {  	[tilespmem:s9], [sflag:$0x1] =	stream.indirect_vreg.gather [hbm4b:s1+s3], $0x80, v3, vm0, $0xb8;
	[tilespmem:$0xE180] =	vst v63  }
0xcc: {  	v3 =	vld [tilespmem:$0x100];
	_ =	sdelay $0x4  }
0xcd: {  	v59 =	vshll.u32 v3, $0x1  }
0xce: {  	v3 =	vand.u32 $0x7, v3;
	v4 =	vand.u32 $0xFFFFFFF0, v59  }
0xcf: {  	v3 =	vor.u32 v3, v4  }
0xd0: {  	v4 =	vperm.xlane v3, v0;
	_ =	sdelay $0x1  }
0xd1: {  	v3 =	vperm.xlane v3, v2;
	v4 =	vadd.s32 v1, v4;
	_ =	sdelay $0x1  }
0xd2: {  	v3 =	vadd.s32 v1, v3;
	_ =	sdelay $0x2  }
0xd3: {  	[tilespmem:s10], [sflag:$0x1] =	stream.indirect_vreg.gather [hbm4b:s1+s3], $0x80, v4, vm0, $0xb8;
	[tilespmem:$0xE180] =	vst v63  }
0xd4: {  	_ = 	snop  }
0xd5: {  	[tilespmem:s11], [sflag:$0x1] =	stream.indirect_vreg.gather [hbm4b:s1+s3], $0x80, v3, vm0, $0xb8;
	[tilespmem:$0xE180] =	vst v63  }
0xd6: {  	v3 =	vld [tilespmem:$0x110];
	_ =	sdelay $0x4  }
0xd7: {  	v60 =	vshll.u32 v3, $0x1  }
0xd8: {  	v3 =	vand.u32 $0x7, v3;
	v4 =	vand.u32 $0xFFFFFFF0, v60  }
0xd9: {  	v3 =	vor.u32 v3, v4  }
0xda: {  	v4 =	vperm.xlane v3, v0;
	_ =	sdelay $0x1  }
0xdb: {  	v3 =	vperm.xlane v3, v2;
	v4 =	vadd.s32 v1, v4;
	_ =	sdelay $0x1  }
0xdc: {  	v3 =	vadd.s32 v1, v3;
	_ =	sdelay $0x2  }
0xdd: {  	[tilespmem:s12], [sflag:$0x1] =	stream.indirect_vreg.gather [hbm4b:s1+s3], $0x80, v4, vm0, $0xb8;
	[tilespmem:$0xE180] =	vst v63  }
0xde: {  	_ = 	snop  }
0xdf: {  	[tilespmem:s13], [sflag:$0x1] =	stream.indirect_vreg.gather [hbm4b:s1+s3], $0x80, v3, vm0, $0xb8;
	[tilespmem:$0xE180] =	vst v63  }
0xe0: {  	v3 =	vld [tilespmem:$0x120];
	_ =	sdelay $0x4  }
0xe1: {  	v61 =	vshll.u32 v3, $0x1  }
0xe2: {  	v3 =	vand.u32 $0x7, v3;
	v4 =	vand.u32 $0xFFFFFFF0, v61  }
0xe3: {  	v3 =	vor.u32 v3, v4  }
0xe4: {  	v4 =	vperm.xlane v3, v0;
	_ =	sdelay $0x1  }
0xe5: {  	v3 =	vperm.xlane v3, v2;
	v4 =	vadd.s32 v1, v4;
	_ =	sdelay $0x1  }
0xe6: {  	v3 =	vadd.s32 v1, v3;
	_ =	sdelay $0x2  }
0xe7: {  	[tilespmem:s14], [sflag:$0x1] =	stream.indirect_vreg.gather [hbm4b:s1+s3], $0x80, v4, vm0, $0xb8;
	[tilespmem:$0xE180] =	vst v63  }
0xe8: {  	_ = 	snop  }
0xe9: {  	[tilespmem:s15], [sflag:$0x1] =	stream.indirect_vreg.gather [hbm4b:s1+s3], $0x80, v3, vm0, $0xb8;
	[tilespmem:$0xE180] =	vst v63  }
0xea: {  	v3 =	vld [tilespmem:$0x130];
	_ =	sdelay $0x4  }
0xeb: {  	v62 =	vshll.u32 v3, $0x1  }
0xec: {  	v3 =	vand.u32 $0x7, v3;
	v4 =	vand.u32 $0xFFFFFFF0, v62  }
0xed: {  	v3 =	vor.u32 v3, v4  }
0xee: {  	v4 =	vperm.xlane v3, v0;
	_ =	sdelay $0x1  }
0xef: {  	v3 =	vperm.xlane v3, v2;
	v4 =	vadd.s32 v1, v4;
	_ =	sdelay $0x1  }
0xf0: {  	v3 =	vadd.s32 v1, v3;
	_ =	sdelay $0x2  }
0xf1: {  	[tilespmem:s16], [sflag:$0x1] =	stream.indirect_vreg.gather [hbm4b:s1+s3], $0x80, v4, vm0, $0xb8;
	[tilespmem:$0xE180] =	vst v63  }
0xf2: {  	_ = 	snop  }
0xf3: {  	[tilespmem:s17], [sflag:$0x1] =	stream.indirect_vreg.gather [hbm4b:s1+s3], $0x80, v3, vm0, $0xb8;
	[tilespmem:$0xE180] =	vst v63  }
0xf4: {  	v3 =	vld [tilespmem:$0x140];
	_ =	sdelay $0x4  }
0xf5: {  	v63 =	vshll.u32 v3, $0x1  }
0xf6: {  	v3 =	vand.u32 $0x7, v3;
	v4 =	vand.u32 $0xFFFFFFF0, v63  }
0xf7: {  	v3 =	vor.u32 v3, v4  }
0xf8: {  	v4 =	vperm.xlane v3, v0;
	_ =	sdelay $0x1  }
0xf9: {  	v3 =	vperm.xlane v3, v2;
	v4 =	vadd.s32 v1, v4;
	_ =	sdelay $0x1  }
0xfa: {  	v3 =	vadd.s32 v1, v3;
	_ =	sdelay $0x2  }
0xfb: {  	[tilespmem:s18], [sflag:$0x1] =	stream.indirect_vreg.gather [hbm4b:s1+s3], $0x80, v4, vm0, $0xb8;
	[tilespmem:$0xE180] =	vst v63  }
0xfc: {  	_ = 	snop  }
0xfd: {  	[tilespmem:s19], [sflag:$0x1] =	stream.indirect_vreg.gather [hbm4b:s1+s3], $0x80, v3, vm0, $0xb8;
	[tilespmem:$0xE180] =	vst v63  }
0xfe: {  	_ =	swait.ge [sflag:s31], $0x7000  }
0xff: {  	p0 =	sne.s32 s4, $0x1;
	[sflag:s31] =	ssyncset.done $0x0  }
.Ltmp0:
0x100: {  	s21 =	rddreg [dreg:$0x7];
	[sflag:s31] =	ssyncadd.s32 $0xFFFF9000;
	(pc) =	sbr.rel @p0 .LBB2_1-.Ltmp0, $4  }
0x101: {  	[hbm4b:s21+s3] =	stream.linear.scatter [tilespmem:s6], [sflag:$0x3], $0x7000, $0x38;
	[tilespmem:$0xE180] =	vst v63  }
0x102: {  	_ =	swait.ge [sflag:s5], $0x7000  }
0x103: {  	[sflag:s5] =	ssyncset.done $0x0  }
0x104: {  	s4 =	sadd.s32 $0xFFFFFFFF, s4;
	[sflag:s5] =	ssyncadd.s32 $0xFFFF9000  }
0x105: {  	_ =	sfence.sel $0x180000  }
0x106: {  	[bflag:$0x0] =	sbarrier.arrive $0xFFFF  }
0x107: {  	_ =	strace $0x90000047  }
0x108: {  	s0 =	stileid.u32;
	[bflag:$0x2] =	sbarrier.arrive $0xFFFF  }
0x109: {  	p0 =	sne.s32 s0, $0x0;
	s0 =	rddreg [dreg:$0x3]  }
0x10a: {  	s0 =	sadd.s32 @!p0 $0x100000, s0  }
0x10b: {  	[sflag:s0] =	ssyncadd.tile.s32 @!p0 $0x1;
	_ =	shalt  }
.Lfunc_end2:
_tile_overlayer_lowered:
.L_overlay_start_2:
0x10c: {  	(tag) =	ssettag $0x2  }
0x10d: {  	s0 =	rddreg [dreg:$0x0];
	s2 =	stileid.u32  }
0x10e: {  	s1 =	rddreg [dreg:$0x1];
	p0 =	sne.s32 s2, $0x0  }
0x10f: {  	s3 =	rddreg [dreg:$0x2];
	[bflag:$0x3] =	sbarrier.arrive $0xFFFF;
	s2 =	simm.s32 @!p0 $0x1C03  }
0x110: {  	[timem:s3], [sflag:s2] =	dma.local @!p0 [hbm:s0], s1  }
0x111: {  	s0 =	simm.s32 @!p0 $0x3  }
0x112: {  	_ =	swait.ge @!p0 [sflag:s0], s1  }
0x113: {  	s1 =	ssub.s32 @!p0 $0x0, s1;
	[sflag:s0] =	ssyncset.done @!p0 $0x0  }
0x114: {  	[sflag:s0] =	ssyncadd.s32 @!p0 s1  }
0x115: {  	[bflag:$0x3] =	sbarrier.arrive $0xFFFF  }
0x116: {  	_ =	shalt  }

</sc_bundles>
